<compile_context>
chip_gen: v7x
topology: tpu7x:2x2x1
jax: 0.10.2.dev20260603
libtpu: 0.0.44.dev20260713+nightly
codegen_flags: <defaults>
</compile_context>

<pallas_src>
import functools

import jax
import jax.numpy as jnp
from jax import lax
from jax.experimental import pallas as pl
from jax.experimental.pallas import tpu as pltpu
from jax.experimental.pallas import tpu_sc as plsc

LANES = 16
NBUF = 2


def _build_gather(bsz, seq, emb_dim, n_workers):
    bt = bsz // n_workers
    rpc = 2 * bt
    assert bt % 8 == 0 and bt <= 128

    mesh = plsc.VectorSubcoreMesh(core_axis_name="c", subcore_axis_name="s")

    @functools.partial(
        pl.kernel,
        mesh=mesh,
        compiler_params=pltpu.CompilerParams(
            needs_layout_passes=False, use_tc_tiling_on_sc=False),
        out_type=jax.ShapeDtypeStruct((seq, emb_dim, n_workers, rpc),
                                      jnp.float32),
        scratch_types=[
            pltpu.VMEM((seq, rpc), jnp.int32),
            pltpu.VMEM((NBUF, rpc, emb_dim), jnp.float32),
            pltpu.VMEM((NBUF, emb_dim, rpc + 1), jnp.float32),
            pltpu.SemaphoreType.DMA,
            pltpu.SemaphoreType.DMA,
            pltpu.SemaphoreType.DMA,
            pltpu.SemaphoreType.DMA,
        ],
    )
    def gather_kernel(idx_hbm, w_hbm, out_hbm, idx_v, rows_v, out_v,
                      gsem0, gsem1, osem0, osem1):
        n_cores = mesh.num_cores
        wid = lax.axis_index("s") * n_cores + lax.axis_index("c")

        gsems = (gsem0, gsem1)
        osems = (osem0, osem1)

        lane = lax.iota(jnp.int32, 16)

        pltpu.sync_copy(idx_hbm.at[:, wid], idx_v)

        def start_gather(c, b):
            for h in range(2):
                pltpu.async_copy(
                    w_hbm.at[idx_v.at[c, pl.ds(h * bt, bt)]],
                    rows_v.at[b, pl.ds(h * bt, bt)], gsems[b])

        def wait_gather(c, b):
            for h in range(2):
                pltpu.make_async_copy(
                    w_hbm.at[idx_v.at[c, pl.ds(h * bt, bt)]],
                    rows_v.at[b, pl.ds(h * bt, bt)], gsems[b]).wait()

        def start_out(c, b):
            pltpu.async_copy(out_v.at[b, :, pl.ds(0, rpc)],
                             out_hbm.at[c, :, wid], osems[b])

        def wait_out(c, b):
            pltpu.make_async_copy(
                out_v.at[b, :, pl.ds(0, rpc)],
                out_hbm.at[c, :, wid], osems[b]).wait()

        for b in range(NBUF):
            start_gather(b, b)

        def outer(g, carry):
            for b in range(NBUF):
                c = g * NBUF + b
                wait_gather(c, b)

                @pl.when(g > 0)
                def _():
                    wait_out(c - NBUF, b)

                def row_body(r, carry2):
                    vr = jnp.full((LANES,), r, jnp.int32)
                    vals = [rows_v[b, r, pl.ds(grp * LANES, LANES)]
                            for grp in range(emb_dim // LANES)]
                    for grp, a in enumerate(vals):
                        plsc.store_scatter(
                            out_v.at[b], [grp * LANES + lane, vr], a)
                    return carry2

                lax.fori_loop(0, rpc, row_body, 0, unroll=8)
                start_out(c, b)

                @pl.when(c + NBUF < seq)
                def _():
                    start_gather(c + NBUF, b)
            return carry

        lax.fori_loop(0, seq // NBUF, outer, 0)

        for b in range(NBUF):
            wait_out(seq - NBUF + b, b)

    return gather_kernel


def kernel(avnn_tensor, weight):
    bsz, seq, two = avnn_tensor.shape
    assert two == 2
    emb_dim = weight.shape[1]
    n_workers = 32
    bt = bsz // n_workers

    idx = avnn_tensor.astype(jnp.int32)
    idx = idx.transpose(1, 0, 2).reshape(seq, n_workers, bt, 2)
    idx = idx.transpose(0, 1, 3, 2).reshape(seq, n_workers, 2 * bt)

    gather = _build_gather(bsz, seq, emb_dim, n_workers)
    out4 = gather(idx, weight)

    out = out4.reshape(seq, emb_dim, n_workers, 2, bt)
    out = out.transpose(2, 4, 0, 1, 3).reshape(bsz, seq, emb_dim, 2)
    return out

# --- scband reference (transcript-rebuilt; emitter-appended) ---
"""Pipeline reference for scband-avnnshared-embedding-6571299963127 (READ-ONLY COPY).

The authoritative reference and input builder live on the scoring server;
editing this copy changes nothing except your own understanding.
"""

import jax, jax.numpy as jnp
import numpy as np

NUM_EMBEDDINGS = 1000000
EMBEDDING_DIM = 64

def setup_inputs(seed: int = 0) -> dict:
    key = jax.random.key(seed)
    k_idx, k_w = jax.random.split(key)
    avnn_tensor = jax.random.randint(k_idx, (4096, 200, 2), 0, NUM_EMBEDDINGS, dtype=jnp.int64 if jax.config.jax_enable_x64 else jnp.int32)
    weight = jax.random.normal(k_w, (NUM_EMBEDDINGS, EMBEDDING_DIM), dtype=jnp.float32)
    return {"avnn_tensor": avnn_tensor, "weight": weight}

def reference(avnn_tensor, weight):
    # values = Embedding(avnn_tensor[:, :, 0]); meanings = Embedding(avnn_tensor[:, :, 1])
    values = jnp.take(weight, avnn_tensor[:, :, 0], axis=0)
    meanings = jnp.take(weight, avnn_tensor[:, :, 1], axis=0)
    # stack([values, meanings], dim=-1) -> [B, L, D, 2]
    return jnp.stack([values, meanings], axis=-1)

if __name__ == "__main__":
    import jax
    _d = setup_inputs()
    print(jax.jit(kernel)(*tuple(_d.values())))

</pallas_src>

<mosaic_0001>
#map = affine_map<(d0, d1) -> (0, 0, 0)>
#map1 = affine_map<(d0, d1) -> (0, 0)>
#map2 = affine_map<(d0, d1) -> (0, 0, 0, 0)>
module attributes {stable_mosaic.version = 14 : i64} {
  func.func @gather_kernel(%arg0: i32, %arg1: i32, %arg2: memref<200x32x256xi32, #tpu.memory_space<hbm>>, %arg3: memref<1000000x64xf32, #tpu.memory_space<hbm>>, %arg4: memref<200x64x32x256xf32, #tpu.memory_space<hbm>>, %arg5: memref<200x256xi32, #tpu.memory_space<vmem>>, %arg6: memref<2x256x64xf32, #tpu.memory_space<vmem>>, %arg7: memref<2x64x257xf32, #tpu.memory_space<vmem>>, %arg8: memref<!tpu.dma_semaphore, #tpu.memory_space<semaphore_mem>>, %arg9: memref<!tpu.dma_semaphore, #tpu.memory_space<semaphore_mem>>, %arg10: memref<!tpu.dma_semaphore, #tpu.memory_space<semaphore_mem>>, %arg11: memref<!tpu.dma_semaphore, #tpu.memory_space<semaphore_mem>>) attributes {dimension_semantics = [#tpu.dimension_semantics<core_parallel>, #tpu.dimension_semantics<subcore_parallel>], iteration_bounds = array<i64: 2, 16>, scalar_prefetch = 0 : i64, scratch_operands = 7 : i64, tpu.core_type = #tpu.core_type<sc_vector_subcore>, window_params = [{transform_indices = #map}, {transform_indices = #map1}, {transform_indices = #map2}]} {
    %mul3A = arith.constant 2 : i32
    %mul3A_0 = arith.muli %arg1, %mul3A : i32
    %add3A = arith.addi %mul3A_0, %arg0 : i32
    %iota3A = tpu.iota {dimensions = array<i32: 0>} : vector<16xi32>
    "tpu.region"() ({
      %run_scoped3A = tpu.sem_alloc : memref<!tpu.dma_semaphore, #tpu.memory_space<semaphore_mem>>
      %dma_start3A_88 = arith.constant 0 : i32
      %dma_start3A_89 = arith.constant 0 : i32
      %dma_start3A_90 = tpu.memref_slice %arg2[%dma_start3A_88, %add3A, %dma_start3A_89] : memref<200x32x256xi32, #tpu.memory_space<hbm>> -> memref<200x1x256xi32, #tpu.memory_space<hbm>>
      %dma_start3A_91 = tpu.memref_squeeze %dma_start3A_90 : memref<200x1x256xi32, #tpu.memory_space<hbm>> -> memref<200x256xi32, #tpu.memory_space<hbm>>
      %dma_start3A_92 = arith.constant 0 : i32
      %dma_start3A_93 = arith.constant 0 : i32
      %dma_start3A_94 = tpu.memref_slice %arg2[%dma_start3A_92, %add3A, %dma_start3A_93] : memref<200x32x256xi32, #tpu.memory_space<hbm>> -> memref<200x1x256xi32, #tpu.memory_space<hbm>>
      %dma_start3A_95 = tpu.memref_squeeze %dma_start3A_94 : memref<200x1x256xi32, #tpu.memory_space<hbm>> -> memref<200x256xi32, #tpu.memory_space<hbm>>
      tpu.enqueue_dma source(%dma_start3A_95 : memref<200x256xi32, #tpu.memory_space<hbm>>) target(%arg5 : memref<200x256xi32, #tpu.memory_space<vmem>>) target_semaphore(%run_scoped3A : memref<!tpu.dma_semaphore, #tpu.memory_space<semaphore_mem>>)
      %dma_wait3A_96 = arith.constant 0 : i32
      %dma_wait3A_97 = arith.constant 0 : i32
      %dma_wait3A_98 = tpu.memref_slice %arg2[%dma_wait3A_96, %add3A, %dma_wait3A_97] : memref<200x32x256xi32, #tpu.memory_space<hbm>> -> memref<200x1x256xi32, #tpu.memory_space<hbm>>
      %dma_wait3A_99 = tpu.memref_squeeze %dma_wait3A_98 : memref<200x1x256xi32, #tpu.memory_space<hbm>> -> memref<200x256xi32, #tpu.memory_space<hbm>>
      %dma_wait3A_100 = arith.constant 0 : i32
      %dma_wait3A_101 = arith.constant 0 : i32
      %dma_wait3A_102 = tpu.memref_slice %arg2[%dma_wait3A_100, %add3A, %dma_wait3A_101] : memref<200x32x256xi32, #tpu.memory_space<hbm>> -> memref<200x1x256xi32, #tpu.memory_space<hbm>>
      %dma_wait3A_103 = tpu.memref_squeeze %dma_wait3A_102 : memref<200x1x256xi32, #tpu.memory_space<hbm>> -> memref<200x256xi32, #tpu.memory_space<hbm>>
      tpu.wait_dma2 semaphore(%run_scoped3A : memref<!tpu.dma_semaphore, #tpu.memory_space<semaphore_mem>>) src(%dma_wait3A_103 : memref<200x256xi32, #tpu.memory_space<hbm>>) dst(%arg5 : memref<200x256xi32, #tpu.memory_space<vmem>>)
      tpu.yield
    }) : () -> ()
    %dma_start3A = arith.constant 0 : i32
    %dma_start3A_1 = arith.constant 0 : i32
    %dma_start3A_2 = arith.constant 0 : i32
    %dma_start3A_3 = arith.constant 0 : i32
    %dma_start3A_4 = tpu.memref_slice %arg6[%dma_start3A_1, %dma_start3A_2, %dma_start3A_3] : memref<2x256x64xf32, #tpu.memory_space<vmem>> -> memref<1x128x64xf32, #tpu.memory_space<vmem>>
    %dma_start3A_5 = tpu.memref_squeeze %dma_start3A_4 : memref<1x128x64xf32, #tpu.memory_space<vmem>> -> memref<128x64xf32, #tpu.memory_space<vmem>>
    %dma_start3A_6 = arith.constant 0 : i32
    %dma_start3A_7 = tpu.memref_slice %arg5[%dma_start3A, %dma_start3A_6] : memref<200x256xi32, #tpu.memory_space<vmem>> -> memref<1x128xi32, #tpu.memory_space<vmem>>
    %dma_start3A_8 = tpu.memref_squeeze %dma_start3A_7 : memref<1x128xi32, #tpu.memory_space<vmem>> -> memref<128xi32, #tpu.memory_space<vmem>>
    %dma_start3A_9 = arith.constant 0 : i32
    %dma_start3A_10 = arith.constant 0 : i32
    %dma_start3A_11 = tpu.memref_slice %arg3[%dma_start3A_9, %dma_start3A_10] : memref<1000000x64xf32, #tpu.memory_space<hbm>> -> memref<1000000x64xf32, #tpu.memory_space<hbm>>
    tpu.enqueue_indirect_dma source(%dma_start3A_11 : memref<1000000x64xf32, #tpu.memory_space<hbm>>) target(%dma_start3A_5 : memref<128x64xf32, #tpu.memory_space<vmem>>) offsets(%dma_start3A_8 : memref<128xi32, #tpu.memory_space<vmem>>) semaphore(%arg8 : memref<!tpu.dma_semaphore, #tpu.memory_space<semaphore_mem>>)
    %dma_start3A_12 = arith.constant 0 : i32
    %dma_start3A_13 = arith.constant 0 : i32
    %dma_start3A_14 = arith.constant 128 : i32
    %dma_start3A_15 = arith.constant 0 : i32
    %dma_start3A_16 = tpu.memref_slice %arg6[%dma_start3A_13, %dma_start3A_14, %dma_start3A_15] : memref<2x256x64xf32, #tpu.memory_space<vmem>> -> memref<1x128x64xf32, #tpu.memory_space<vmem>>
    %dma_start3A_17 = tpu.memref_squeeze %dma_start3A_16 : memref<1x128x64xf32, #tpu.memory_space<vmem>> -> memref<128x64xf32, #tpu.memory_space<vmem>>
    %dma_start3A_18 = arith.constant 128 : i32
    %dma_start3A_19 = tpu.memref_slice %arg5[%dma_start3A_12, %dma_start3A_18] : memref<200x256xi32, #tpu.memory_space<vmem>> -> memref<1x128xi32, #tpu.memory_space<vmem>>
    %dma_start3A_20 = tpu.memref_squeeze %dma_start3A_19 : memref<1x128xi32, #tpu.memory_space<vmem>> -> memref<128xi32, #tpu.memory_space<vmem>>
    %dma_start3A_21 = arith.constant 0 : i32
    %dma_start3A_22 = arith.constant 0 : i32
    %dma_start3A_23 = tpu.memref_slice %arg3[%dma_start3A_21, %dma_start3A_22] : memref<1000000x64xf32, #tpu.memory_space<hbm>> -> memref<1000000x64xf32, #tpu.memory_space<hbm>>
    tpu.enqueue_indirect_dma source(%dma_start3A_23 : memref<1000000x64xf32, #tpu.memory_space<hbm>>) target(%dma_start3A_17 : memref<128x64xf32, #tpu.memory_space<vmem>>) offsets(%dma_start3A_20 : memref<128xi32, #tpu.memory_space<vmem>>) semaphore(%arg8 : memref<!tpu.dma_semaphore, #tpu.memory_space<semaphore_mem>>)
    %dma_start3A_24 = arith.constant 1 : i32
    %dma_start3A_25 = arith.constant 1 : i32
    %dma_start3A_26 = arith.constant 0 : i32
    %dma_start3A_27 = arith.constant 0 : i32
    %dma_start3A_28 = tpu.memref_slice %arg6[%dma_start3A_25, %dma_start3A_26, %dma_start3A_27] : memref<2x256x64xf32, #tpu.memory_space<vmem>> -> memref<1x128x64xf32, #tpu.memory_space<vmem>>
    %dma_start3A_29 = tpu.memref_squeeze %dma_start3A_28 : memref<1x128x64xf32, #tpu.memory_space<vmem>> -> memref<128x64xf32, #tpu.memory_space<vmem>>
    %dma_start3A_30 = arith.constant 0 : i32
    %dma_start3A_31 = tpu.memref_slice %arg5[%dma_start3A_24, %dma_start3A_30] : memref<200x256xi32, #tpu.memory_space<vmem>> -> memref<1x128xi32, #tpu.memory_space<vmem>>
    %dma_start3A_32 = tpu.memref_squeeze %dma_start3A_31 : memref<1x128xi32, #tpu.memory_space<vmem>> -> memref<128xi32, #tpu.memory_space<vmem>>
    %dma_start3A_33 = arith.constant 0 : i32
    %dma_start3A_34 = arith.constant 0 : i32
    %dma_start3A_35 = tpu.memref_slice %arg3[%dma_start3A_33, %dma_start3A_34] : memref<1000000x64xf32, #tpu.memory_space<hbm>> -> memref<1000000x64xf32, #tpu.memory_space<hbm>>
    tpu.enqueue_indirect_dma source(%dma_start3A_35 : memref<1000000x64xf32, #tpu.memory_space<hbm>>) target(%dma_start3A_29 : memref<128x64xf32, #tpu.memory_space<vmem>>) offsets(%dma_start3A_32 : memref<128xi32, #tpu.memory_space<vmem>>) semaphore(%arg9 : memref<!tpu.dma_semaphore, #tpu.memory_space<semaphore_mem>>)
    %dma_start3A_36 = arith.constant 1 : i32
    %dma_start3A_37 = arith.constant 1 : i32
    %dma_start3A_38 = arith.constant 128 : i32
    %dma_start3A_39 = arith.constant 0 : i32
    %dma_start3A_40 = tpu.memref_slice %arg6[%dma_start3A_37, %dma_start3A_38, %dma_start3A_39] : memref<2x256x64xf32, #tpu.memory_space<vmem>> -> memref<1x128x64xf32, #tpu.memory_space<vmem>>
    %dma_start3A_41 = tpu.memref_squeeze %dma_start3A_40 : memref<1x128x64xf32, #tpu.memory_space<vmem>> -> memref<128x64xf32, #tpu.memory_space<vmem>>
    %dma_start3A_42 = arith.constant 128 : i32
    %dma_start3A_43 = tpu.memref_slice %arg5[%dma_start3A_36, %dma_start3A_42] : memref<200x256xi32, #tpu.memory_space<vmem>> -> memref<1x128xi32, #tpu.memory_space<vmem>>
    %dma_start3A_44 = tpu.memref_squeeze %dma_start3A_43 : memref<1x128xi32, #tpu.memory_space<vmem>> -> memref<128xi32, #tpu.memory_space<vmem>>
    %dma_start3A_45 = arith.constant 0 : i32
    %dma_start3A_46 = arith.constant 0 : i32
    %dma_start3A_47 = tpu.memref_slice %arg3[%dma_start3A_45, %dma_start3A_46] : memref<1000000x64xf32, #tpu.memory_space<hbm>> -> memref<1000000x64xf32, #tpu.memory_space<hbm>>
    tpu.enqueue_indirect_dma source(%dma_start3A_47 : memref<1000000x64xf32, #tpu.memory_space<hbm>>) target(%dma_start3A_41 : memref<128x64xf32, #tpu.memory_space<vmem>>) offsets(%dma_start3A_44 : memref<128xi32, #tpu.memory_space<vmem>>) semaphore(%arg9 : memref<!tpu.dma_semaphore, #tpu.memory_space<semaphore_mem>>)
    %scan3A = arith.constant 0 : i32
    %scan3A_48 = arith.constant 0 : i32
    %scan3A_49 = arith.constant 100 : i32
    %scan3A_50 = arith.addi %scan3A_48, %scan3A_49 : i32
    %scan3A_51 = arith.constant 1 : i32
    scf.for %scan3A_88 = %scan3A_48 to %scan3A_50 step %scan3A_51  : i32 {
      %mul3A_89 = arith.constant 2 : i32
      %mul3A_90 = arith.muli %scan3A_88, %mul3A_89 : i32
      %add3A_91 = arith.constant 0 : i32
      %add3A_92 = arith.addi %mul3A_90, %add3A_91 : i32
      %dma_wait3A_93 = arith.constant 0 : i32
      %dma_wait3A_94 = arith.constant 0 : i32
      %dma_wait3A_95 = arith.constant 0 : i32
      %dma_wait3A_96 = tpu.memref_slice %arg6[%dma_wait3A_93, %dma_wait3A_94, %dma_wait3A_95] : memref<2x256x64xf32, #tpu.memory_space<vmem>> -> memref<1x128x64xf32, #tpu.memory_space<vmem>>
      %dma_wait3A_97 = tpu.memref_squeeze %dma_wait3A_96 : memref<1x128x64xf32, #tpu.memory_space<vmem>> -> memref<128x64xf32, #tpu.memory_space<vmem>>
      %dma_wait3A_98 = arith.constant 0 : i32
      %dma_wait3A_99 = tpu.memref_slice %arg5[%add3A_92, %dma_wait3A_98] : memref<200x256xi32, #tpu.memory_space<vmem>> -> memref<1x128xi32, #tpu.memory_space<vmem>>
      %dma_wait3A_100 = tpu.memref_squeeze %dma_wait3A_99 : memref<1x128xi32, #tpu.memory_space<vmem>> -> memref<128xi32, #tpu.memory_space<vmem>>
      %dma_wait3A_101 = arith.constant 0 : i32
      %dma_wait3A_102 = arith.constant 0 : i32
      %dma_wait3A_103 = tpu.memref_slice %arg3[%dma_wait3A_101, %dma_wait3A_102] : memref<1000000x64xf32, #tpu.memory_space<hbm>> -> memref<1000000x64xf32, #tpu.memory_space<hbm>>
      tpu.wait_indirect_dma semaphore(%arg8 : memref<!tpu.dma_semaphore, #tpu.memory_space<semaphore_mem>>) src(%dma_wait3A_103 : memref<1000000x64xf32, #tpu.memory_space<hbm>>) dst(%dma_wait3A_97 : memref<128x64xf32, #tpu.memory_space<vmem>>)
      %dma_wait3A_104 = arith.constant 0 : i32
      %dma_wait3A_105 = arith.constant 128 : i32
      %dma_wait3A_106 = arith.constant 0 : i32
      %dma_wait3A_107 = tpu.memref_slice %arg6[%dma_wait3A_104, %dma_wait3A_105, %dma_wait3A_106] : memref<2x256x64xf32, #tpu.memory_space<vmem>> -> memref<1x128x64xf32, #tpu.memory_space<vmem>>
      %dma_wait3A_108 = tpu.memref_squeeze %dma_wait3A_107 : memref<1x128x64xf32, #tpu.memory_space<vmem>> -> memref<128x64xf32, #tpu.memory_space<vmem>>
      %dma_wait3A_109 = arith.constant 128 : i32
      %dma_wait3A_110 = tpu.memref_slice %arg5[%add3A_92, %dma_wait3A_109] : memref<200x256xi32, #tpu.memory_space<vmem>> -> memref<1x128xi32, #tpu.memory_space<vmem>>
      %dma_wait3A_111 = tpu.memref_squeeze %dma_wait3A_110 : memref<1x128xi32, #tpu.memory_space<vmem>> -> memref<128xi32, #tpu.memory_space<vmem>>
      %dma_wait3A_112 = arith.constant 0 : i32
      %dma_wait3A_113 = arith.constant 0 : i32
      %dma_wait3A_114 = tpu.memref_slice %arg3[%dma_wait3A_112, %dma_wait3A_113] : memref<1000000x64xf32, #tpu.memory_space<hbm>> -> memref<1000000x64xf32, #tpu.memory_space<hbm>>
      tpu.wait_indirect_dma semaphore(%arg8 : memref<!tpu.dma_semaphore, #tpu.memory_space<semaphore_mem>>) src(%dma_wait3A_114 : memref<1000000x64xf32, #tpu.memory_space<hbm>>) dst(%dma_wait3A_108 : memref<128x64xf32, #tpu.memory_space<vmem>>)
      %gt3A = arith.constant 0 : i32
      %gt3A_115 = arith.cmpi sgt, %scan3A_88, %gt3A : i32
      %convert_element_type3A = arith.extui %gt3A_115 : i1 to i32
      %cond3A = arith.constant 0 : i32
      %cond3A_116 = arith.cmpi ne, %convert_element_type3A, %cond3A : i32
      scf.if %cond3A_116 {
        %sub3A = arith.constant 2 : i32
        %sub3A_207 = arith.subi %add3A_92, %sub3A : i32
        %dma_wait3A_208 = arith.constant 0 : i32
        %dma_wait3A_209 = arith.constant 0 : i32
        %dma_wait3A_210 = arith.constant 0 : i32
        %dma_wait3A_211 = tpu.memref_slice %arg7[%dma_wait3A_208, %dma_wait3A_209, %dma_wait3A_210] : memref<2x64x257xf32, #tpu.memory_space<vmem>> -> memref<1x64x256xf32, #tpu.memory_space<vmem>>
        %dma_wait3A_212 = tpu.memref_squeeze %dma_wait3A_211 : memref<1x64x256xf32, #tpu.memory_space<vmem>> -> memref<64x256xf32, #tpu.memory_space<vmem>>
        %dma_wait3A_213 = arith.constant 0 : i32
        %dma_wait3A_214 = arith.constant 0 : i32
        %dma_wait3A_215 = tpu.memref_slice %arg4[%sub3A_207, %dma_wait3A_213, %add3A, %dma_wait3A_214] : memref<200x64x32x256xf32, #tpu.memory_space<hbm>> -> memref<1x64x1x256xf32, #tpu.memory_space<hbm>>
        %dma_wait3A_216 = tpu.memref_squeeze %dma_wait3A_215 : memref<1x64x1x256xf32, #tpu.memory_space<hbm>> -> memref<64x256xf32, #tpu.memory_space<hbm>>
        %dma_wait3A_217 = arith.constant 0 : i32
        %dma_wait3A_218 = arith.constant 0 : i32
        %dma_wait3A_219 = tpu.memref_slice %arg4[%sub3A_207, %dma_wait3A_217, %add3A, %dma_wait3A_218] : memref<200x64x32x256xf32, #tpu.memory_space<hbm>> -> memref<1x64x1x256xf32, #tpu.memory_space<hbm>>
        %dma_wait3A_220 = tpu.memref_squeeze %dma_wait3A_219 : memref<1x64x1x256xf32, #tpu.memory_space<hbm>> -> memref<64x256xf32, #tpu.memory_space<hbm>>
        %dma_wait3A_221 = arith.constant 0 : i32
        %dma_wait3A_222 = arith.constant 0 : i32
        %dma_wait3A_223 = tpu.memref_slice %arg7[%dma_wait3A_208, %dma_wait3A_221, %dma_wait3A_222] : memref<2x64x257xf32, #tpu.memory_space<vmem>> -> memref<1x64x256xf32, #tpu.memory_space<vmem>>
        %dma_wait3A_224 = tpu.memref_squeeze %dma_wait3A_223 : memref<1x64x256xf32, #tpu.memory_space<vmem>> -> memref<64x256xf32, #tpu.memory_space<vmem>>
        tpu.wait_dma2 semaphore(%arg10 : memref<!tpu.dma_semaphore, #tpu.memory_space<semaphore_mem>>) src(%dma_wait3A_224 : memref<64x256xf32, #tpu.memory_space<vmem>>) dst(%dma_wait3A_220 : memref<64x256xf32, #tpu.memory_space<hbm>>)
      } else {
      }
      %scan3A_117 = arith.constant 0 : i32
      %scan3A_118 = arith.constant 0 : i32
      %scan3A_119 = arith.constant 256 : i32
      %scan3A_120 = arith.addi %scan3A_118, %scan3A_119 : i32
      %scan3A_121 = arith.constant 8 : i32
      scf.for %scan3A_207 = %scan3A_118 to %scan3A_120 step %scan3A_121  : i32 {
        %broadcast_in_dim3A = vector.broadcast %scan3A_207 : i32 to vector<16xi32>
        %get3A = arith.constant 0 : i32
        %get3A_208 = arith.index_cast %get3A : i32 to index
        %get3A_209 = arith.index_cast %scan3A_207 : i32 to index
        %get3A_210 = arith.constant 0 : index
        %get3A_211 = tpu.vector_load %arg6[%get3A_208, %get3A_209, %get3A_210] {strides = array<i32>} : memref<2x256x64xf32, #tpu.memory_space<vmem>>, vector<16xf32>,
        %get3A_212 = arith.constant 0 : i32
        %get3A_213 = arith.index_cast %get3A_212 : i32 to index
        %get3A_214 = arith.index_cast %scan3A_207 : i32 to index
        %get3A_215 = arith.constant 16 : index
        %get3A_216 = tpu.vector_load %arg6[%get3A_213, %get3A_214, %get3A_215] {strides = array<i32>} : memref<2x256x64xf32, #tpu.memory_space<vmem>>, vector<16xf32>,
        %get3A_217 = arith.constant 0 : i32
        %get3A_218 = arith.index_cast %get3A_217 : i32 to index
        %get3A_219 = arith.index_cast %scan3A_207 : i32 to index
        %get3A_220 = arith.constant 32 : index
        %get3A_221 = tpu.vector_load %arg6[%get3A_218, %get3A_219, %get3A_220] {strides = array<i32>} : memref<2x256x64xf32, #tpu.memory_space<vmem>>, vector<16xf32>,
        %get3A_222 = arith.constant 0 : i32
        %get3A_223 = arith.index_cast %get3A_222 : i32 to index
        %get3A_224 = arith.index_cast %scan3A_207 : i32 to index
        %get3A_225 = arith.constant 48 : index
        %get3A_226 = tpu.vector_load %arg6[%get3A_223, %get3A_224, %get3A_225] {strides = array<i32>} : memref<2x256x64xf32, #tpu.memory_space<vmem>>, vector<16xf32>,
        %add3A_227 = arith.constant 0 : i32
        %add3A_228 = vector.broadcast %add3A_227 : i32 to vector<16xi32>
        %add3A_229 = arith.addi %add3A_228, %iota3A : vector<16xi32>
        %scatter3A = arith.constant 0 : i32
        %scatter3A_230 = arith.constant 0 : i32
        %scatter3A_231 = arith.constant 0 : i32
        %scatter3A_232 = tpu.memref_slice %arg7[%scatter3A, %scatter3A_230, %scatter3A_231] : memref<2x64x257xf32, #tpu.memory_space<vmem>> -> memref<1x64x257xf32, #tpu.memory_space<vmem>>
        %scatter3A_233 = tpu.memref_squeeze %scatter3A_232 : memref<1x64x257xf32, #tpu.memory_space<vmem>> -> memref<64x257xf32, #tpu.memory_space<vmem>>
        tpu.vector_store_idx %scatter3A_233[%add3A_229, %broadcast_in_dim3A], %get3A_211 : memref<64x257xf32, #tpu.memory_space<vmem>>[vector<16xi32>, vector<16xi32>], vector<16xf32>,
        %add3A_234 = arith.constant 16 : i32
        %add3A_235 = vector.broadcast %add3A_234 : i32 to vector<16xi32>
        %add3A_236 = arith.addi %add3A_235, %iota3A : vector<16xi32>
        %scatter3A_237 = arith.constant 0 : i32
        %scatter3A_238 = arith.constant 0 : i32
        %scatter3A_239 = arith.constant 0 : i32
        %scatter3A_240 = tpu.memref_slice %arg7[%scatter3A_237, %scatter3A_238, %scatter3A_239] : memref<2x64x257xf32, #tpu.memory_space<vmem>> -> memref<1x64x257xf32, #tpu.memory_space<vmem>>
        %scatter3A_241 = tpu.memref_squeeze %scatter3A_240 : memref<1x64x257xf32, #tpu.memory_space<vmem>> -> memref<64x257xf32, #tpu.memory_space<vmem>>
        tpu.vector_store_idx %scatter3A_241[%add3A_236, %broadcast_in_dim3A], %get3A_216 : memref<64x257xf32, #tpu.memory_space<vmem>>[vector<16xi32>, vector<16xi32>], vector<16xf32>,
        %add3A_242 = arith.constant 32 : i32
        %add3A_243 = vector.broadcast %add3A_242 : i32 to vector<16xi32>
        %add3A_244 = arith.addi %add3A_243, %iota3A : vector<16xi32>
        %scatter3A_245 = arith.constant 0 : i32
        %scatter3A_246 = arith.constant 0 : i32
        %scatter3A_247 = arith.constant 0 : i32
        %scatter3A_248 = tpu.memref_slice %arg7[%scatter3A_245, %scatter3A_246, %scatter3A_247] : memref<2x64x257xf32, #tpu.memory_space<vmem>> -> memref<1x64x257xf32, #tpu.memory_space<vmem>>
        %scatter3A_249 = tpu.memref_squeeze %scatter3A_248 : memref<1x64x257xf32, #tpu.memory_space<vmem>> -> memref<64x257xf32, #tpu.memory_space<vmem>>
        tpu.vector_store_idx %scatter3A_249[%add3A_244, %broadcast_in_dim3A], %get3A_221 : memref<64x257xf32, #tpu.memory_space<vmem>>[vector<16xi32>, vector<16xi32>], vector<16xf32>,
        %add3A_250 = arith.constant 48 : i32
        %add3A_251 = vector.broadcast %add3A_250 : i32 to vector<16xi32>
        %add3A_252 = arith.addi %add3A_251, %iota3A : vector<16xi32>
        %scatter3A_253 = arith.constant 0 : i32
        %scatter3A_254 = arith.constant 0 : i32
        %scatter3A_255 = arith.constant 0 : i32
        %scatter3A_256 = tpu.memref_slice %arg7[%scatter3A_253, %scatter3A_254, %scatter3A_255] : memref<2x64x257xf32, #tpu.memory_space<vmem>> -> memref<1x64x257xf32, #tpu.memory_space<vmem>>
        %scatter3A_257 = tpu.memref_squeeze %scatter3A_256 : memref<1x64x257xf32, #tpu.memory_space<vmem>> -> memref<64x257xf32, #tpu.memory_space<vmem>>
        tpu.vector_store_idx %scatter3A_257[%add3A_252, %broadcast_in_dim3A], %get3A_226 : memref<64x257xf32, #tpu.memory_space<vmem>>[vector<16xi32>, vector<16xi32>], vector<16xf32>,
        %scan3A_258 = arith.constant 1 : i32
        %scan3A_259 = arith.addi %scan3A_207, %scan3A_258 : i32
        %broadcast_in_dim3A_260 = vector.broadcast %scan3A_259 : i32 to vector<16xi32>
        %get3A_261 = arith.constant 0 : i32
        %get3A_262 = arith.index_cast %get3A_261 : i32 to index
        %get3A_263 = arith.index_cast %scan3A_259 : i32 to index
        %get3A_264 = arith.constant 0 : index
        %get3A_265 = tpu.vector_load %arg6[%get3A_262, %get3A_263, %get3A_264] {strides = array<i32>} : memref<2x256x64xf32, #tpu.memory_space<vmem>>, vector<16xf32>,
        %get3A_266 = arith.constant 0 : i32
        %get3A_267 = arith.index_cast %get3A_266 : i32 to index
        %get3A_268 = arith.index_cast %scan3A_259 : i32 to index
        %get3A_269 = arith.constant 16 : index
        %get3A_270 = tpu.vector_load %arg6[%get3A_267, %get3A_268, %get3A_269] {strides = array<i32>} : memref<2x256x64xf32, #tpu.memory_space<vmem>>, vector<16xf32>,
        %get3A_271 = arith.constant 0 : i32
        %get3A_272 = arith.index_cast %get3A_271 : i32 to index
        %get3A_273 = arith.index_cast %scan3A_259 : i32 to index
        %get3A_274 = arith.constant 32 : index
        %get3A_275 = tpu.vector_load %arg6[%get3A_272, %get3A_273, %get3A_274] {strides = array<i32>} : memref<2x256x64xf32, #tpu.memory_space<vmem>>, vector<16xf32>,
        %get3A_276 = arith.constant 0 : i32
        %get3A_277 = arith.index_cast %get3A_276 : i32 to index
        %get3A_278 = arith.index_cast %scan3A_259 : i32 to index
        %get3A_279 = arith.constant 48 : index
        %get3A_280 = tpu.vector_load %arg6[%get3A_277, %get3A_278, %get3A_279] {strides = array<i32>} : memref<2x256x64xf32, #tpu.memory_space<vmem>>, vector<16xf32>,
        %add3A_281 = arith.constant 0 : i32
        %add3A_282 = vector.broadcast %add3A_281 : i32 to vector<16xi32>
        %add3A_283 = arith.addi %add3A_282, %iota3A : vector<16xi32>
        %scatter3A_284 = arith.constant 0 : i32
        %scatter3A_285 = arith.constant 0 : i32
        %scatter3A_286 = arith.constant 0 : i32
        %scatter3A_287 = tpu.memref_slice %arg7[%scatter3A_284, %scatter3A_285, %scatter3A_286] : memref<2x64x257xf32, #tpu.memory_space<vmem>> -> memref<1x64x257xf32, #tpu.memory_space<vmem>>
        %scatter3A_288 = tpu.memref_squeeze %scatter3A_287 : memref<1x64x257xf32, #tpu.memory_space<vmem>> -> memref<64x257xf32, #tpu.memory_space<vmem>>
        tpu.vector_store_idx %scatter3A_288[%add3A_283, %broadcast_in_dim3A_260], %get3A_265 : memref<64x257xf32, #tpu.memory_space<vmem>>[vector<16xi32>, vector<16xi32>], vector<16xf32>,
        %add3A_289 = arith.constant 16 : i32
        %add3A_290 = vector.broadcast %add3A_289 : i32 to vector<16xi32>
        %add3A_291 = arith.addi %add3A_290, %iota3A : vector<16xi32>
        %scatter3A_292 = arith.constant 0 : i32
        %scatter3A_293 = arith.constant 0 : i32
        %scatter3A_294 = arith.constant 0 : i32
        %scatter3A_295 = tpu.memref_slice %arg7[%scatter3A_292, %scatter3A_293, %scatter3A_294] : memref<2x64x257xf32, #tpu.memory_space<vmem>> -> memref<1x64x257xf32, #tpu.memory_space<vmem>>
        %scatter3A_296 = tpu.memref_squeeze %scatter3A_295 : memref<1x64x257xf32, #tpu.memory_space<vmem>> -> memref<64x257xf32, #tpu.memory_space<vmem>>
        tpu.vector_store_idx %scatter3A_296[%add3A_291, %broadcast_in_dim3A_260], %get3A_270 : memref<64x257xf32, #tpu.memory_space<vmem>>[vector<16xi32>, vector<16xi32>], vector<16xf32>,
        %add3A_297 = arith.constant 32 : i32
        %add3A_298 = vector.broadcast %add3A_297 : i32 to vector<16xi32>
        %add3A_299 = arith.addi %add3A_298, %iota3A : vector<16xi32>
        %scatter3A_300 = arith.constant 0 : i32
        %scatter3A_301 = arith.constant 0 : i32
        %scatter3A_302 = arith.constant 0 : i32
        %scatter3A_303 = tpu.memref_slice %arg7[%scatter3A_300, %scatter3A_301, %scatter3A_302] : memref<2x64x257xf32, #tpu.memory_space<vmem>> -> memref<1x64x257xf32, #tpu.memory_space<vmem>>
        %scatter3A_304 = tpu.memref_squeeze %scatter3A_303 : memref<1x64x257xf32, #tpu.memory_space<vmem>> -> memref<64x257xf32, #tpu.memory_space<vmem>>
        tpu.vector_store_idx %scatter3A_304[%add3A_299, %broadcast_in_dim3A_260], %get3A_275 : memref<64x257xf32, #tpu.memory_space<vmem>>[vector<16xi32>, vector<16xi32>], vector<16xf32>,
        %add3A_305 = arith.constant 48 : i32
        %add3A_306 = vector.broadcast %add3A_305 : i32 to vector<16xi32>
        %add3A_307 = arith.addi %add3A_306, %iota3A : vector<16xi32>
        %scatter3A_308 = arith.constant 0 : i32
        %scatter3A_309 = arith.constant 0 : i32
        %scatter3A_310 = arith.constant 0 : i32
        %scatter3A_311 = tpu.memref_slice %arg7[%scatter3A_308, %scatter3A_309, %scatter3A_310] : memref<2x64x257xf32, #tpu.memory_space<vmem>> -> memref<1x64x257xf32, #tpu.memory_space<vmem>>
        %scatter3A_312 = tpu.memref_squeeze %scatter3A_311 : memref<1x64x257xf32, #tpu.memory_space<vmem>> -> memref<64x257xf32, #tpu.memory_space<vmem>>
        tpu.vector_store_idx %scatter3A_312[%add3A_307, %broadcast_in_dim3A_260], %get3A_280 : memref<64x257xf32, #tpu.memory_space<vmem>>[vector<16xi32>, vector<16xi32>], vector<16xf32>,
        %scan3A_313 = arith.constant 2 : i32
        %scan3A_314 = arith.addi %scan3A_207, %scan3A_313 : i32
        %broadcast_in_dim3A_315 = vector.broadcast %scan3A_314 : i32 to vector<16xi32>
        %get3A_316 = arith.constant 0 : i32
        %get3A_317 = arith.index_cast %get3A_316 : i32 to index
        %get3A_318 = arith.index_cast %scan3A_314 : i32 to index
        %get3A_319 = arith.constant 0 : index
        %get3A_320 = tpu.vector_load %arg6[%get3A_317, %get3A_318, %get3A_319] {strides = array<i32>} : memref<2x256x64xf32, #tpu.memory_space<vmem>>, vector<16xf32>,
        %get3A_321 = arith.constant 0 : i32
        %get3A_322 = arith.index_cast %get3A_321 : i32 to index
        %get3A_323 = arith.index_cast %scan3A_314 : i32 to index
        %get3A_324 = arith.constant 16 : index
        %get3A_325 = tpu.vector_load %arg6[%get3A_322, %get3A_323, %get3A_324] {strides = array<i32>} : memref<2x256x64xf32, #tpu.memory_space<vmem>>, vector<16xf32>,
        %get3A_326 = arith.constant 0 : i32
        %get3A_327 = arith.index_cast %get3A_326 : i32 to index
        %get3A_328 = arith.index_cast %scan3A_314 : i32 to index
        %get3A_329 = arith.constant 32 : index
        %get3A_330 = tpu.vector_load %arg6[%get3A_327, %get3A_328, %get3A_329] {strides = array<i32>} : memref<2x256x64xf32, #tpu.memory_space<vmem>>, vector<16xf32>,
        %get3A_331 = arith.constant 0 : i32
        %get3A_332 = arith.index_cast %get3A_331 : i32 to index
        %get3A_333 = arith.index_cast %scan3A_314 : i32 to index
        %get3A_334 = arith.constant 48 : index
        %get3A_335 = tpu.vector_load %arg6[%get3A_332, %get3A_333, %get3A_334] {strides = array<i32>} : memref<2x256x64xf32, #tpu.memory_space<vmem>>, vector<16xf32>,
        %add3A_336 = arith.constant 0 : i32
        %add3A_337 = vector.broadcast %add3A_336 : i32 to vector<16xi32>
        %add3A_338 = arith.addi %add3A_337, %iota3A : vector<16xi32>
        %scatter3A_339 = arith.constant 0 : i32
        %scatter3A_340 = arith.constant 0 : i32
        %scatter3A_341 = arith.constant 0 : i32
        %scatter3A_342 = tpu.memref_slice %arg7[%scatter3A_339, %scatter3A_340, %scatter3A_341] : memref<2x64x257xf32, #tpu.memory_space<vmem>> -> memref<1x64x257xf32, #tpu.memory_space<vmem>>
        %scatter3A_343 = tpu.memref_squeeze %scatter3A_342 : memref<1x64x257xf32, #tpu.memory_space<vmem>> -> memref<64x257xf32, #tpu.memory_space<vmem>>
        tpu.vector_store_idx %scatter3A_343[%add3A_338, %broadcast_in_dim3A_315], %get3A_320 : memref<64x257xf32, #tpu.memory_space<vmem>>[vector<16xi32>, vector<16xi32>], vector<16xf32>,
        %add3A_344 = arith.constant 16 : i32
        %add3A_345 = vector.broadcast %add3A_344 : i32 to vector<16xi32>
        %add3A_346 = arith.addi %add3A_345, %iota3A : vector<16xi32>
        %scatter3A_347 = arith.constant 0 : i32
        %scatter3A_348 = arith.constant 0 : i32
        %scatter3A_349 = arith.constant 0 : i32
        %scatter3A_350 = tpu.memref_slice %arg7[%scatter3A_347, %scatter3A_348, %scatter3A_349] : memref<2x64x257xf32, #tpu.memory_space<vmem>> -> memref<1x64x257xf32, #tpu.memory_space<vmem>>
        %scatter3A_351 = tpu.memref_squeeze %scatter3A_350 : memref<1x64x257xf32, #tpu.memory_space<vmem>> -> memref<64x257xf32, #tpu.memory_space<vmem>>
        tpu.vector_store_idx %scatter3A_351[%add3A_346, %broadcast_in_dim3A_315], %get3A_325 : memref<64x257xf32, #tpu.memory_space<vmem>>[vector<16xi32>, vector<16xi32>], vector<16xf32>,
        %add3A_352 = arith.constant 32 : i32
        %add3A_353 = vector.broadcast %add3A_352 : i32 to vector<16xi32>
        %add3A_354 = arith.addi %add3A_353, %iota3A : vector<16xi32>
        %scatter3A_355 = arith.constant 0 : i32
        %scatter3A_356 = arith.constant 0 : i32
        %scatter3A_357 = arith.constant 0 : i32
        %scatter3A_358 = tpu.memref_slice %arg7[%scatter3A_355, %scatter3A_356, %scatter3A_357] : memref<2x64x257xf32, #tpu.memory_space<vmem>> -> memref<1x64x257xf32, #tpu.memory_space<vmem>>
        %scatter3A_359 = tpu.memref_squeeze %scatter3A_358 : memref<1x64x257xf32, #tpu.memory_space<vmem>> -> memref<64x257xf32, #tpu.memory_space<vmem>>
        tpu.vector_store_idx %scatter3A_359[%add3A_354, %broadcast_in_dim3A_315], %get3A_330 : memref<64x257xf32, #tpu.memory_space<vmem>>[vector<16xi32>, vector<16xi32>], vector<16xf32>,
        %add3A_360 = arith.constant 48 : i32
        %add3A_361 = vector.broadcast %add3A_360 : i32 to vector<16xi32>
        %add3A_362 = arith.addi %add3A_361, %iota3A : vector<16xi32>
        %scatter3A_363 = arith.constant 0 : i32
        %scatter3A_364 = arith.constant 0 : i32
        %scatter3A_365 = arith.constant 0 : i32
        %scatter3A_366 = tpu.memref_slice %arg7[%scatter3A_363, %scatter3A_364, %scatter3A_365] : memref<2x64x257xf32, #tpu.memory_space<vmem>> -> memref<1x64x257xf32, #tpu.memory_space<vmem>>
        %scatter3A_367 = tpu.memref_squeeze %scatter3A_366 : memref<1x64x257xf32, #tpu.memory_space<vmem>> -> memref<64x257xf32, #tpu.memory_space<vmem>>
        tpu.vector_store_idx %scatter3A_367[%add3A_362, %broadcast_in_dim3A_315], %get3A_335 : memref<64x257xf32, #tpu.memory_space<vmem>>[vector<16xi32>, vector<16xi32>], vector<16xf32>,
        %scan3A_368 = arith.constant 3 : i32
        %scan3A_369 = arith.addi %scan3A_207, %scan3A_368 : i32
        %broadcast_in_dim3A_370 = vector.broadcast %scan3A_369 : i32 to vector<16xi32>
        %get3A_371 = arith.constant 0 : i32
        %get3A_372 = arith.index_cast %get3A_371 : i32 to index
        %get3A_373 = arith.index_cast %scan3A_369 : i32 to index
        %get3A_374 = arith.constant 0 : index
        %get3A_375 = tpu.vector_load %arg6[%get3A_372, %get3A_373, %get3A_374] {strides = array<i32>} : memref<2x256x64xf32, #tpu.memory_space<vmem>>, vector<16xf32>,
        %get3A_376 = arith.constant 0 : i32
        %get3A_377 = arith.index_cast %get3A_376 : i32 to index
        %get3A_378 = arith.index_cast %scan3A_369 : i32 to index
        %get3A_379 = arith.constant 16 : index
        %get3A_380 = tpu.vector_load %arg6[%get3A_377, %get3A_378, %get3A_379] {strides = array<i32>} : memref<2x256x64xf32, #tpu.memory_space<vmem>>, vector<16xf32>,
        %get3A_381 = arith.constant 0 : i32
        %get3A_382 = arith.index_cast %get3A_381 : i32 to index
        %get3A_383 = arith.index_cast %scan3A_369 : i32 to index
        %get3A_384 = arith.constant 32 : index
        %get3A_385 = tpu.vector_load %arg6[%get3A_382, %get3A_383, %get3A_384] {strides = array<i32>} : memref<2x256x64xf32, #tpu.memory_space<vmem>>, vector<16xf32>,
        %get3A_386 = arith.constant 0 : i32
        %get3A_387 = arith.index_cast %get3A_386 : i32 to index
        %get3A_388 = arith.index_cast %scan3A_369 : i32 to index
        %get3A_389 = arith.constant 48 : index
        %get3A_390 = tpu.vector_load %arg6[%get3A_387, %get3A_388, %get3A_389] {strides = array<i32>} : memref<2x256x64xf32, #tpu.memory_space<vmem>>, vector<16xf32>,
        %add3A_391 = arith.constant 0 : i32
        %add3A_392 = vector.broadcast %add3A_391 : i32 to vector<16xi32>
        %add3A_393 = arith.addi %add3A_392, %iota3A : vector<16xi32>
        %scatter3A_394 = arith.constant 0 : i32
        %scatter3A_395 = arith.constant 0 : i32
        %scatter3A_396 = arith.constant 0 : i32
        %scatter3A_397 = tpu.memref_slice %arg7[%scatter3A_394, %scatter3A_395, %scatter3A_396] : memref<2x64x257xf32, #tpu.memory_space<vmem>> -> memref<1x64x257xf32, #tpu.memory_space<vmem>>
        %scatter3A_398 = tpu.memref_squeeze %scatter3A_397 : memref<1x64x257xf32, #tpu.memory_space<vmem>> -> memref<64x257xf32, #tpu.memory_space<vmem>>
        tpu.vector_store_idx %scatter3A_398[%add3A_393, %broadcast_in_dim3A_370], %get3A_375 : memref<64x257xf32, #tpu.memory_space<vmem>>[vector<16xi32>, vector<16xi32>], vector<16xf32>,
        %add3A_399 = arith.constant 16 : i32
        %add3A_400 = vector.broadcast %add3A_399 : i32 to vector<16xi32>
        %add3A_401 = arith.addi %add3A_400, %iota3A : vector<16xi32>
        %scatter3A_402 = arith.constant 0 : i32
        %scatter3A_403 = arith.constant 0 : i32
        %scatter3A_404 = arith.constant 0 : i32
        %scatter3A_405 = tpu.memref_slice %arg7[%scatter3A_402, %scatter3A_403, %scatter3A_404] : memref<2x64x257xf32, #tpu.memory_space<vmem>> -> memref<1x64x257xf32, #tpu.memory_space<vmem>>
        %scatter3A_406 = tpu.memref_squeeze %scatter3A_405 : memref<1x64x257xf32, #tpu.memory_space<vmem>> -> memref<64x257xf32, #tpu.memory_space<vmem>>
        tpu.vector_store_idx %scatter3A_406[%add3A_401, %broadcast_in_dim3A_370], %get3A_380 : memref<64x257xf32, #tpu.memory_space<vmem>>[vector<16xi32>, vector<16xi32>], vector<16xf32>,
        %add3A_407 = arith.constant 32 : i32
        %add3A_408 = vector.broadcast %add3A_407 : i32 to vector<16xi32>
        %add3A_409 = arith.addi %add3A_408, %iota3A : vector<16xi32>
        %scatter3A_410 = arith.constant 0 : i32
        %scatter3A_411 = arith.constant 0 : i32
        %scatter3A_412 = arith.constant 0 : i32
        %scatter3A_413 = tpu.memref_slice %arg7[%scatter3A_410, %scatter3A_411, %scatter3A_412] : memref<2x64x257xf32, #tpu.memory_space<vmem>> -> memref<1x64x257xf32, #tpu.memory_space<vmem>>
        %scatter3A_414 = tpu.memref_squeeze %scatter3A_413 : memref<1x64x257xf32, #tpu.memory_space<vmem>> -> memref<64x257xf32, #tpu.memory_space<vmem>>
        tpu.vector_store_idx %scatter3A_414[%add3A_409, %broadcast_in_dim3A_370], %get3A_385 : memref<64x257xf32, #tpu.memory_space<vmem>>[vector<16xi32>, vector<16xi32>], vector<16xf32>,
        %add3A_415 = arith.constant 48 : i32
        %add3A_416 = vector.broadcast %add3A_415 : i32 to vector<16xi32>
        %add3A_417 = arith.addi %add3A_416, %iota3A : vector<16xi32>
        %scatter3A_418 = arith.constant 0 : i32
        %scatter3A_419 = arith.constant 0 : i32
        %scatter3A_420 = arith.constant 0 : i32
        %scatter3A_421 = tpu.memref_slice %arg7[%scatter3A_418, %scatter3A_419, %scatter3A_420] : memref<2x64x257xf32, #tpu.memory_space<vmem>> -> memref<1x64x257xf32, #tpu.memory_space<vmem>>
        %scatter3A_422 = tpu.memref_squeeze %scatter3A_421 : memref<1x64x257xf32, #tpu.memory_space<vmem>> -> memref<64x257xf32, #tpu.memory_space<vmem>>
        tpu.vector_store_idx %scatter3A_422[%add3A_417, %broadcast_in_dim3A_370], %get3A_390 : memref<64x257xf32, #tpu.memory_space<vmem>>[vector<16xi32>, vector<16xi32>], vector<16xf32>,
        %scan3A_423 = arith.constant 4 : i32
        %scan3A_424 = arith.addi %scan3A_207, %scan3A_423 : i32
        %broadcast_in_dim3A_425 = vector.broadcast %scan3A_424 : i32 to vector<16xi32>
        %get3A_426 = arith.constant 0 : i32
        %get3A_427 = arith.index_cast %get3A_426 : i32 to index
        %get3A_428 = arith.index_cast %scan3A_424 : i32 to index
        %get3A_429 = arith.constant 0 : index
        %get3A_430 = tpu.vector_load %arg6[%get3A_427, %get3A_428, %get3A_429] {strides = array<i32>} : memref<2x256x64xf32, #tpu.memory_space<vmem>>, vector<16xf32>,
        %get3A_431 = arith.constant 0 : i32
        %get3A_432 = arith.index_cast %get3A_431 : i32 to index
        %get3A_433 = arith.index_cast %scan3A_424 : i32 to index
        %get3A_434 = arith.constant 16 : index
        %get3A_435 = tpu.vector_load %arg6[%get3A_432, %get3A_433, %get3A_434] {strides = array<i32>} : memref<2x256x64xf32, #tpu.memory_space<vmem>>, vector<16xf32>,
        %get3A_436 = arith.constant 0 : i32
        %get3A_437 = arith.index_cast %get3A_436 : i32 to index
        %get3A_438 = arith.index_cast %scan3A_424 : i32 to index
        %get3A_439 = arith.constant 32 : index
        %get3A_440 = tpu.vector_load %arg6[%get3A_437, %get3A_438, %get3A_439] {strides = array<i32>} : memref<2x256x64xf32, #tpu.memory_space<vmem>>, vector<16xf32>,
        %get3A_441 = arith.constant 0 : i32
        %get3A_442 = arith.index_cast %get3A_441 : i32 to index
        %get3A_443 = arith.index_cast %scan3A_424 : i32 to index
        %get3A_444 = arith.constant 48 : index
        %get3A_445 = tpu.vector_load %arg6[%get3A_442, %get3A_443, %get3A_444] {strides = array<i32>} : memref<2x256x64xf32, #tpu.memory_space<vmem>>, vector<16xf32>,
        %add3A_446 = arith.constant 0 : i32
        %add3A_447 = vector.broadcast %add3A_446 : i32 to vector<16xi32>
        %add3A_448 = arith.addi %add3A_447, %iota3A : vector<16xi32>
        %scatter3A_449 = arith.constant 0 : i32
        %scatter3A_450 = arith.constant 0 : i32
        %scatter3A_451 = arith.constant 0 : i32
        %scatter3A_452 = tpu.memref_slice %arg7[%scatter3A_449, %scatter3A_450, %scatter3A_451] : memref<2x64x257xf32, #tpu.memory_space<vmem>> -> memref<1x64x257xf32, #tpu.memory_space<vmem>>
        %scatter3A_453 = tpu.memref_squeeze %scatter3A_452 : memref<1x64x257xf32, #tpu.memory_space<vmem>> -> memref<64x257xf32, #tpu.memory_space<vmem>>
        tpu.vector_store_idx %scatter3A_453[%add3A_448, %broadcast_in_dim3A_425], %get3A_430 : memref<64x257xf32, #tpu.memory_space<vmem>>[vector<16xi32>, vector<16xi32>], vector<16xf32>,
        %add3A_454 = arith.constant 16 : i32
        %add3A_455 = vector.broadcast %add3A_454 : i32 to vector<16xi32>
        %add3A_456 = arith.addi %add3A_455, %iota3A : vector<16xi32>
        %scatter3A_457 = arith.constant 0 : i32
        %scatter3A_458 = arith.constant 0 : i32
        %scatter3A_459 = arith.constant 0 : i32
        %scatter3A_460 = tpu.memref_slice %arg7[%scatter3A_457, %scatter3A_458, %scatter3A_459] : memref<2x64x257xf32, #tpu.memory_space<vmem>> -> memref<1x64x257xf32, #tpu.memory_space<vmem>>
        %scatter3A_461 = tpu.memref_squeeze %scatter3A_460 : memref<1x64x257xf32, #tpu.memory_space<vmem>> -> memref<64x257xf32, #tpu.memory_space<vmem>>
        tpu.vector_store_idx %scatter3A_461[%add3A_456, %broadcast_in_dim3A_425], %get3A_435 : memref<64x257xf32, #tpu.memory_space<vmem>>[vector<16xi32>, vector<16xi32>], vector<16xf32>,
        %add3A_462 = arith.constant 32 : i32
        %add3A_463 = vector.broadcast %add3A_462 : i32 to vector<16xi32>
        %add3A_464 = arith.addi %add3A_463, %iota3A : vector<16xi32>
        %scatter3A_465 = arith.constant 0 : i32
        %scatter3A_466 = arith.constant 0 : i32
        %scatter3A_467 = arith.constant 0 : i32
        %scatter3A_468 = tpu.memref_slice %arg7[%scatter3A_465, %scatter3A_466, %scatter3A_467] : memref<2x64x257xf32, #tpu.memory_space<vmem>> -> memref<1x64x257xf32, #tpu.memory_space<vmem>>
        %scatter3A_469 = tpu.memref_squeeze %scatter3A_468 : memref<1x64x257xf32, #tpu.memory_space<vmem>> -> memref<64x257xf32, #tpu.memory_space<vmem>>
        tpu.vector_store_idx %scatter3A_469[%add3A_464, %broadcast_in_dim3A_425], %get3A_440 : memref<64x257xf32, #tpu.memory_space<vmem>>[vector<16xi32>, vector<16xi32>], vector<16xf32>,
        %add3A_470 = arith.constant 48 : i32
        %add3A_471 = vector.broadcast %add3A_470 : i32 to vector<16xi32>
        %add3A_472 = arith.addi %add3A_471, %iota3A : vector<16xi32>
        %scatter3A_473 = arith.constant 0 : i32
        %scatter3A_474 = arith.constant 0 : i32
        %scatter3A_475 = arith.constant 0 : i32
        %scatter3A_476 = tpu.memref_slice %arg7[%scatter3A_473, %scatter3A_474, %scatter3A_475] : memref<2x64x257xf32, #tpu.memory_space<vmem>> -> memref<1x64x257xf32, #tpu.memory_space<vmem>>
        %scatter3A_477 = tpu.memref_squeeze %scatter3A_476 : memref<1x64x257xf32, #tpu.memory_space<vmem>> -> memref<64x257xf32, #tpu.memory_space<vmem>>
        tpu.vector_store_idx %scatter3A_477[%add3A_472, %broadcast_in_dim3A_425], %get3A_445 : memref<64x257xf32, #tpu.memory_space<vmem>>[vector<16xi32>, vector<16xi32>], vector<16xf32>,
        %scan3A_478 = arith.constant 5 : i32
        %scan3A_479 = arith.addi %scan3A_207, %scan3A_478 : i32
        %broadcast_in_dim3A_480 = vector.broadcast %scan3A_479 : i32 to vector<16xi32>
        %get3A_481 = arith.constant 0 : i32
        %get3A_482 = arith.index_cast %get3A_481 : i32 to index
        %get3A_483 = arith.index_cast %scan3A_479 : i32 to index
        %get3A_484 = arith.constant 0 : index
        %get3A_485 = tpu.vector_load %arg6[%get3A_482, %get3A_483, %get3A_484] {strides = array<i32>} : memref<2x256x64xf32, #tpu.memory_space<vmem>>, vector<16xf32>,
        %get3A_486 = arith.constant 0 : i32
        %get3A_487 = arith.index_cast %get3A_486 : i32 to index
        %get3A_488 = arith.index_cast %scan3A_479 : i32 to index
        %get3A_489 = arith.constant 16 : index
        %get3A_490 = tpu.vector_load %arg6[%get3A_487, %get3A_488, %get3A_489] {strides = array<i32>} : memref<2x256x64xf32, #tpu.memory_space<vmem>>, vector<16xf32>,
        %get3A_491 = arith.constant 0 : i32
        %get3A_492 = arith.index_cast %get3A_491 : i32 to index
        %get3A_493 = arith.index_cast %scan3A_479 : i32 to index
        %get3A_494 = arith.constant 32 : index
        %get3A_495 = tpu.vector_load %arg6[%get3A_492, %get3A_493, %get3A_494] {strides = array<i32>} : memref<2x256x64xf32, #tpu.memory_space<vmem>>, vector<16xf32>,
        %get3A_496 = arith.constant 0 : i32
        %get3A_497 = arith.index_cast %get3A_496 : i32 to index
        %get3A_498 = arith.index_cast %scan3A_479 : i32 to index
        %get3A_499 = arith.constant 48 : index
        %get3A_500 = tpu.vector_load %arg6[%get3A_497, %get3A_498, %get3A_499] {strides = array<i32>} : memref<2x256x64xf32, #tpu.memory_space<vmem>>, vector<16xf32>,
        %add3A_501 = arith.constant 0 : i32
        %add3A_502 = vector.broadcast %add3A_501 : i32 to vector<16xi32>
        %add3A_503 = arith.addi %add3A_502, %iota3A : vector<16xi32>
        %scatter3A_504 = arith.constant 0 : i32
        %scatter3A_505 = arith.constant 0 : i32
        %scatter3A_506 = arith.constant 0 : i32
        %scatter3A_507 = tpu.memref_slice %arg7[%scatter3A_504, %scatter3A_505, %scatter3A_506] : memref<2x64x257xf32, #tpu.memory_space<vmem>> -> memref<1x64x257xf32, #tpu.memory_space<vmem>>
        %scatter3A_508 = tpu.memref_squeeze %scatter3A_507 : memref<1x64x257xf32, #tpu.memory_space<vmem>> -> memref<64x257xf32, #tpu.memory_space<vmem>>
        tpu.vector_store_idx %scatter3A_508[%add3A_503, %broadcast_in_dim3A_480], %get3A_485 : memref<64x257xf32, #tpu.memory_space<vmem>>[vector<16xi32>, vector<16xi32>], vector<16xf32>,
        %add3A_509 = arith.constant 16 : i32
        %add3A_510 = vector.broadcast %add3A_509 : i32 to vector<16xi32>
        %add3A_511 = arith.addi %add3A_510, %iota3A : vector<16xi32>
        %scatter3A_512 = arith.constant 0 : i32
        %scatter3A_513 = arith.constant 0 : i32
        %scatter3A_514 = arith.constant 0 : i32
        %scatter3A_515 = tpu.memref_slice %arg7[%scatter3A_512, %scatter3A_513, %scatter3A_514] : memref<2x64x257xf32, #tpu.memory_space<vmem>> -> memref<1x64x257xf32, #tpu.memory_space<vmem>>
        %scatter3A_516 = tpu.memref_squeeze %scatter3A_515 : memref<1x64x257xf32, #tpu.memory_space<vmem>> -> memref<64x257xf32, #tpu.memory_space<vmem>>
        tpu.vector_store_idx %scatter3A_516[%add3A_511, %broadcast_in_dim3A_480], %get3A_490 : memref<64x257xf32, #tpu.memory_space<vmem>>[vector<16xi32>, vector<16xi32>], vector<16xf32>,
        %add3A_517 = arith.constant 32 : i32
        %add3A_518 = vector.broadcast %add3A_517 : i32 to vector<16xi32>
        %add3A_519 = arith.addi %add3A_518, %iota3A : vector<16xi32>
        %scatter3A_520 = arith.constant 0 : i32
        %scatter3A_521 = arith.constant 0 : i32
        %scatter3A_522 = arith.constant 0 : i32
        %scatter3A_523 = tpu.memref_slice %arg7[%scatter3A_520, %scatter3A_521, %scatter3A_522] : memref<2x64x257xf32, #tpu.memory_space<vmem>> -> memref<1x64x257xf32, #tpu.memory_space<vmem>>
        %scatter3A_524 = tpu.memref_squeeze %scatter3A_523 : memref<1x64x257xf32, #tpu.memory_space<vmem>> -> memref<64x257xf32, #tpu.memory_space<vmem>>
        tpu.vector_store_idx %scatter3A_524[%add3A_519, %broadcast_in_dim3A_480], %get3A_495 : memref<64x257xf32, #tpu.memory_space<vmem>>[vector<16xi32>, vector<16xi32>], vector<16xf32>,
        %add3A_525 = arith.constant 48 : i32
        %add3A_526 = vector.broadcast %add3A_525 : i32 to vector<16xi32>
        %add3A_527 = arith.addi %add3A_526, %iota3A : vector<16xi32>
        %scatter3A_528 = arith.constant 0 : i32
        %scatter3A_529 = arith.constant 0 : i32
        %scatter3A_530 = arith.constant 0 : i32
        %scatter3A_531 = tpu.memref_slice %arg7[%scatter3A_528, %scatter3A_529, %scatter3A_530] : memref<2x64x257xf32, #tpu.memory_space<vmem>> -> memref<1x64x257xf32, #tpu.memory_space<vmem>>
        %scatter3A_532 = tpu.memref_squeeze %scatter3A_531 : memref<1x64x257xf32, #tpu.memory_space<vmem>> -> memref<64x257xf32, #tpu.memory_space<vmem>>
        tpu.vector_store_idx %scatter3A_532[%add3A_527, %broadcast_in_dim3A_480], %get3A_500 : memref<64x257xf32, #tpu.memory_space<vmem>>[vector<16xi32>, vector<16xi32>], vector<16xf32>,
        %scan3A_533 = arith.constant 6 : i32
        %scan3A_534 = arith.addi %scan3A_207, %scan3A_533 : i32
        %broadcast_in_dim3A_535 = vector.broadcast %scan3A_534 : i32 to vector<16xi32>
        %get3A_536 = arith.constant 0 : i32
        %get3A_537 = arith.index_cast %get3A_536 : i32 to index
        %get3A_538 = arith.index_cast %scan3A_534 : i32 to index
        %get3A_539 = arith.constant 0 : index
        %get3A_540 = tpu.vector_load %arg6[%get3A_537, %get3A_538, %get3A_539] {strides = array<i32>} : memref<2x256x64xf32, #tpu.memory_space<vmem>>, vector<16xf32>,
        %get3A_541 = arith.constant 0 : i32
        %get3A_542 = arith.index_cast %get3A_541 : i32 to index
        %get3A_543 = arith.index_cast %scan3A_534 : i32 to index
        %get3A_544 = arith.constant 16 : index
        %get3A_545 = tpu.vector_load %arg6[%get3A_542, %get3A_543, %get3A_544] {strides = array<i32>} : memref<2x256x64xf32, #tpu.memory_space<vmem>>, vector<16xf32>,
        %get3A_546 = arith.constant 0 : i32
        %get3A_547 = arith.index_cast %get3A_546 : i32 to index
        %get3A_548 = arith.index_cast %scan3A_534 : i32 to index
        %get3A_549 = arith.constant 32 : index
        %get3A_550 = tpu.vector_load %arg6[%get3A_547, %get3A_548, %get3A_549] {strides = array<i32>} : memref<2x256x64xf32, #tpu.memory_space<vmem>>, vector<16xf32>,
        %get3A_551 = arith.constant 0 : i32
        %get3A_552 = arith.index_cast %get3A_551 : i32 to index
        %get3A_553 = arith.index_cast %scan3A_534 : i32 to index
        %get3A_554 = arith.constant 48 : index
        %get3A_555 = tpu.vector_load %arg6[%get3A_552, %get3A_553, %get3A_554] {strides = array<i32>} : memref<2x256x64xf32, #tpu.memory_space<vmem>>, vector<16xf32>,
        %add3A_556 = arith.constant 0 : i32
        %add3A_557 = vector.broadcast %add3A_556 : i32 to vector<16xi32>
        %add3A_558 = arith.addi %add3A_557, %iota3A : vector<16xi32>
        %scatter3A_559 = arith.constant 0 : i32
        %scatter3A_560 = arith.constant 0 : i32
        %scatter3A_561 = arith.constant 0 : i32
        %scatter3A_562 = tpu.memref_slice %arg7[%scatter3A_559, %scatter3A_560, %scatter3A_561] : memref<2x64x257xf32, #tpu.memory_space<vmem>> -> memref<1x64x257xf32, #tpu.memory_space<vmem>>
        %scatter3A_563 = tpu.memref_squeeze %scatter3A_562 : memref<1x64x257xf32, #tpu.memory_space<vmem>> -> memref<64x257xf32, #tpu.memory_space<vmem>>
        tpu.vector_store_idx %scatter3A_563[%add3A_558, %broadcast_in_dim3A_535], %get3A_540 : memref<64x257xf32, #tpu.memory_space<vmem>>[vector<16xi32>, vector<16xi32>], vector<16xf32>,
        %add3A_564 = arith.constant 16 : i32
        %add3A_565 = vector.broadcast %add3A_564 : i32 to vector<16xi32>
        %add3A_566 = arith.addi %add3A_565, %iota3A : vector<16xi32>
        %scatter3A_567 = arith.constant 0 : i32
        %scatter3A_568 = arith.constant 0 : i32
        %scatter3A_569 = arith.constant 0 : i32
        %scatter3A_570 = tpu.memref_slice %arg7[%scatter3A_567, %scatter3A_568, %scatter3A_569] : memref<2x64x257xf32, #tpu.memory_space<vmem>> -> memref<1x64x257xf32, #tpu.memory_space<vmem>>
        %scatter3A_571 = tpu.memref_squeeze %scatter3A_570 : memref<1x64x257xf32, #tpu.memory_space<vmem>> -> memref<64x257xf32, #tpu.memory_space<vmem>>
        tpu.vector_store_idx %scatter3A_571[%add3A_566, %broadcast_in_dim3A_535], %get3A_545 : memref<64x257xf32, #tpu.memory_space<vmem>>[vector<16xi32>, vector<16xi32>], vector<16xf32>,
        %add3A_572 = arith.constant 32 : i32
        %add3A_573 = vector.broadcast %add3A_572 : i32 to vector<16xi32>
        %add3A_574 = arith.addi %add3A_573, %iota3A : vector<16xi32>
        %scatter3A_575 = arith.constant 0 : i32
        %scatter3A_576 = arith.constant 0 : i32
        %scatter3A_577 = arith.constant 0 : i32
        %scatter3A_578 = tpu.memref_slice %arg7[%scatter3A_575, %scatter3A_576, %scatter3A_577] : memref<2x64x257xf32, #tpu.memory_space<vmem>> -> memref<1x64x257xf32, #tpu.memory_space<vmem>>
        %scatter3A_579 = tpu.memref_squeeze %scatter3A_578 : memref<1x64x257xf32, #tpu.memory_space<vmem>> -> memref<64x257xf32, #tpu.memory_space<vmem>>
        tpu.vector_store_idx %scatter3A_579[%add3A_574, %broadcast_in_dim3A_535], %get3A_550 : memref<64x257xf32, #tpu.memory_space<vmem>>[vector<16xi32>, vector<16xi32>], vector<16xf32>,
        %add3A_580 = arith.constant 48 : i32
        %add3A_581 = vector.broadcast %add3A_580 : i32 to vector<16xi32>
        %add3A_582 = arith.addi %add3A_581, %iota3A : vector<16xi32>
        %scatter3A_583 = arith.constant 0 : i32
        %scatter3A_584 = arith.constant 0 : i32
        %scatter3A_585 = arith.constant 0 : i32
        %scatter3A_586 = tpu.memref_slice %arg7[%scatter3A_583, %scatter3A_584, %scatter3A_585] : memref<2x64x257xf32, #tpu.memory_space<vmem>> -> memref<1x64x257xf32, #tpu.memory_space<vmem>>
        %scatter3A_587 = tpu.memref_squeeze %scatter3A_586 : memref<1x64x257xf32, #tpu.memory_space<vmem>> -> memref<64x257xf32, #tpu.memory_space<vmem>>
        tpu.vector_store_idx %scatter3A_587[%add3A_582, %broadcast_in_dim3A_535], %get3A_555 : memref<64x257xf32, #tpu.memory_space<vmem>>[vector<16xi32>, vector<16xi32>], vector<16xf32>,
        %scan3A_588 = arith.constant 7 : i32
        %scan3A_589 = arith.addi %scan3A_207, %scan3A_588 : i32
        %broadcast_in_dim3A_590 = vector.broadcast %scan3A_589 : i32 to vector<16xi32>
        %get3A_591 = arith.constant 0 : i32
        %get3A_592 = arith.index_cast %get3A_591 : i32 to index
        %get3A_593 = arith.index_cast %scan3A_589 : i32 to index
        %get3A_594 = arith.constant 0 : index
        %get3A_595 = tpu.vector_load %arg6[%get3A_592, %get3A_593, %get3A_594] {strides = array<i32>} : memref<2x256x64xf32, #tpu.memory_space<vmem>>, vector<16xf32>,
        %get3A_596 = arith.constant 0 : i32
        %get3A_597 = arith.index_cast %get3A_596 : i32 to index
        %get3A_598 = arith.index_cast %scan3A_589 : i32 to index
        %get3A_599 = arith.constant 16 : index
        %get3A_600 = tpu.vector_load %arg6[%get3A_597, %get3A_598, %get3A_599] {strides = array<i32>} : memref<2x256x64xf32, #tpu.memory_space<vmem>>, vector<16xf32>,
        %get3A_601 = arith.constant 0 : i32
        %get3A_602 = arith.index_cast %get3A_601 : i32 to index
        %get3A_603 = arith.index_cast %scan3A_589 : i32 to index
        %get3A_604 = arith.constant 32 : index
        %get3A_605 = tpu.vector_load %arg6[%get3A_602, %get3A_603, %get3A_604] {strides = array<i32>} : memref<2x256x64xf32, #tpu.memory_space<vmem>>, vector<16xf32>,
        %get3A_606 = arith.constant 0 : i32
        %get3A_607 = arith.index_cast %get3A_606 : i32 to index
        %get3A_608 = arith.index_cast %scan3A_589 : i32 to index
        %get3A_609 = arith.constant 48 : index
        %get3A_610 = tpu.vector_load %arg6[%get3A_607, %get3A_608, %get3A_609] {strides = array<i32>} : memref<2x256x64xf32, #tpu.memory_space<vmem>>, vector<16xf32>,
        %add3A_611 = arith.constant 0 : i32
        %add3A_612 = vector.broadcast %add3A_611 : i32 to vector<16xi32>
        %add3A_613 = arith.addi %add3A_612, %iota3A : vector<16xi32>
        %scatter3A_614 = arith.constant 0 : i32
        %scatter3A_615 = arith.constant 0 : i32
        %scatter3A_616 = arith.constant 0 : i32
        %scatter3A_617 = tpu.memref_slice %arg7[%scatter3A_614, %scatter3A_615, %scatter3A_616] : memref<2x64x257xf32, #tpu.memory_space<vmem>> -> memref<1x64x257xf32, #tpu.memory_space<vmem>>
        %scatter3A_618 = tpu.memref_squeeze %scatter3A_617 : memref<1x64x257xf32, #tpu.memory_space<vmem>> -> memref<64x257xf32, #tpu.memory_space<vmem>>
        tpu.vector_store_idx %scatter3A_618[%add3A_613, %broadcast_in_dim3A_590], %get3A_595 : memref<64x257xf32, #tpu.memory_space<vmem>>[vector<16xi32>, vector<16xi32>], vector<16xf32>,
        %add3A_619 = arith.constant 16 : i32
        %add3A_620 = vector.broadcast %add3A_619 : i32 to vector<16xi32>
        %add3A_621 = arith.addi %add3A_620, %iota3A : vector<16xi32>
        %scatter3A_622 = arith.constant 0 : i32
        %scatter3A_623 = arith.constant 0 : i32
        %scatter3A_624 = arith.constant 0 : i32
        %scatter3A_625 = tpu.memref_slice %arg7[%scatter3A_622, %scatter3A_623, %scatter3A_624] : memref<2x64x257xf32, #tpu.memory_space<vmem>> -> memref<1x64x257xf32, #tpu.memory_space<vmem>>
        %scatter3A_626 = tpu.memref_squeeze %scatter3A_625 : memref<1x64x257xf32, #tpu.memory_space<vmem>> -> memref<64x257xf32, #tpu.memory_space<vmem>>
        tpu.vector_store_idx %scatter3A_626[%add3A_621, %broadcast_in_dim3A_590], %get3A_600 : memref<64x257xf32, #tpu.memory_space<vmem>>[vector<16xi32>, vector<16xi32>], vector<16xf32>,
        %add3A_627 = arith.constant 32 : i32
        %add3A_628 = vector.broadcast %add3A_627 : i32 to vector<16xi32>
        %add3A_629 = arith.addi %add3A_628, %iota3A : vector<16xi32>
        %scatter3A_630 = arith.constant 0 : i32
        %scatter3A_631 = arith.constant 0 : i32
        %scatter3A_632 = arith.constant 0 : i32
        %scatter3A_633 = tpu.memref_slice %arg7[%scatter3A_630, %scatter3A_631, %scatter3A_632] : memref<2x64x257xf32, #tpu.memory_space<vmem>> -> memref<1x64x257xf32, #tpu.memory_space<vmem>>
        %scatter3A_634 = tpu.memref_squeeze %scatter3A_633 : memref<1x64x257xf32, #tpu.memory_space<vmem>> -> memref<64x257xf32, #tpu.memory_space<vmem>>
        tpu.vector_store_idx %scatter3A_634[%add3A_629, %broadcast_in_dim3A_590], %get3A_605 : memref<64x257xf32, #tpu.memory_space<vmem>>[vector<16xi32>, vector<16xi32>], vector<16xf32>,
        %add3A_635 = arith.constant 48 : i32
        %add3A_636 = vector.broadcast %add3A_635 : i32 to vector<16xi32>
        %add3A_637 = arith.addi %add3A_636, %iota3A : vector<16xi32>
        %scatter3A_638 = arith.constant 0 : i32
        %scatter3A_639 = arith.constant 0 : i32
        %scatter3A_640 = arith.constant 0 : i32
        %scatter3A_641 = tpu.memref_slice %arg7[%scatter3A_638, %scatter3A_639, %scatter3A_640] : memref<2x64x257xf32, #tpu.memory_space<vmem>> -> memref<1x64x257xf32, #tpu.memory_space<vmem>>
        %scatter3A_642 = tpu.memref_squeeze %scatter3A_641 : memref<1x64x257xf32, #tpu.memory_space<vmem>> -> memref<64x257xf32, #tpu.memory_space<vmem>>
        tpu.vector_store_idx %scatter3A_642[%add3A_637, %broadcast_in_dim3A_590], %get3A_610 : memref<64x257xf32, #tpu.memory_space<vmem>>[vector<16xi32>, vector<16xi32>], vector<16xf32>,
      }
      %scan3A_122 = arith.constant 256 : i32
      %dma_start3A_123 = arith.constant 0 : i32
      %dma_start3A_124 = arith.constant 0 : i32
      %dma_start3A_125 = arith.constant 0 : i32
      %dma_start3A_126 = tpu.memref_slice %arg7[%dma_start3A_123, %dma_start3A_124, %dma_start3A_125] : memref<2x64x257xf32, #tpu.memory_space<vmem>> -> memref<1x64x256xf32, #tpu.memory_space<vmem>>
      %dma_start3A_127 = tpu.memref_squeeze %dma_start3A_126 : memref<1x64x256xf32, #tpu.memory_space<vmem>> -> memref<64x256xf32, #tpu.memory_space<vmem>>
      %dma_start3A_128 = arith.constant 0 : i32
      %dma_start3A_129 = arith.constant 0 : i32
      %dma_start3A_130 = tpu.memref_slice %arg4[%add3A_92, %dma_start3A_128, %add3A, %dma_start3A_129] : memref<200x64x32x256xf32, #tpu.memory_space<hbm>> -> memref<1x64x1x256xf32, #tpu.memory_space<hbm>>
      %dma_start3A_131 = tpu.memref_squeeze %dma_start3A_130 : memref<1x64x1x256xf32, #tpu.memory_space<hbm>> -> memref<64x256xf32, #tpu.memory_space<hbm>>
      %dma_start3A_132 = arith.constant 0 : i32
      %dma_start3A_133 = arith.constant 0 : i32
      %dma_start3A_134 = tpu.memref_slice %arg4[%add3A_92, %dma_start3A_132, %add3A, %dma_start3A_133] : memref<200x64x32x256xf32, #tpu.memory_space<hbm>> -> memref<1x64x1x256xf32, #tpu.memory_space<hbm>>
      %dma_start3A_135 = tpu.memref_squeeze %dma_start3A_134 : memref<1x64x1x256xf32, #tpu.memory_space<hbm>> -> memref<64x256xf32, #tpu.memory_space<hbm>>
      %dma_start3A_136 = arith.constant 0 : i32
      %dma_start3A_137 = arith.constant 0 : i32
      %dma_start3A_138 = tpu.memref_slice %arg7[%dma_start3A_123, %dma_start3A_136, %dma_start3A_137] : memref<2x64x257xf32, #tpu.memory_space<vmem>> -> memref<1x64x256xf32, #tpu.memory_space<vmem>>
      %dma_start3A_139 = tpu.memref_squeeze %dma_start3A_138 : memref<1x64x256xf32, #tpu.memory_space<vmem>> -> memref<64x256xf32, #tpu.memory_space<vmem>>
      tpu.enqueue_dma source(%dma_start3A_139 : memref<64x256xf32, #tpu.memory_space<vmem>>) target(%dma_start3A_135 : memref<64x256xf32, #tpu.memory_space<hbm>>) target_semaphore(%arg10 : memref<!tpu.dma_semaphore, #tpu.memory_space<semaphore_mem>>)
      %add3A_140 = arith.constant 2 : i32
      %add3A_141 = arith.addi %add3A_92, %add3A_140 : i32
      %lt3A = arith.constant 200 : i32
      %lt3A_142 = arith.cmpi slt, %add3A_141, %lt3A : i32
      %convert_element_type3A_143 = arith.extui %lt3A_142 : i1 to i32
      %cond3A_144 = arith.constant 0 : i32
      %cond3A_145 = arith.cmpi ne, %convert_element_type3A_143, %cond3A_144 : i32
      scf.if %cond3A_145 {
        %add3A_207 = arith.constant 2 : i32
        %add3A_208 = arith.addi %add3A_92, %add3A_207 : i32
        %dma_start3A_209 = arith.constant 0 : i32
        %dma_start3A_210 = arith.constant 0 : i32
        %dma_start3A_211 = arith.constant 0 : i32
        %dma_start3A_212 = tpu.memref_slice %arg6[%dma_start3A_209, %dma_start3A_210, %dma_start3A_211] : memref<2x256x64xf32, #tpu.memory_space<vmem>> -> memref<1x128x64xf32, #tpu.memory_space<vmem>>
        %dma_start3A_213 = tpu.memref_squeeze %dma_start3A_212 : memref<1x128x64xf32, #tpu.memory_space<vmem>> -> memref<128x64xf32, #tpu.memory_space<vmem>>
        %dma_start3A_214 = arith.constant 0 : i32
        %dma_start3A_215 = tpu.memref_slice %arg5[%add3A_208, %dma_start3A_214] : memref<200x256xi32, #tpu.memory_space<vmem>> -> memref<1x128xi32, #tpu.memory_space<vmem>>
        %dma_start3A_216 = tpu.memref_squeeze %dma_start3A_215 : memref<1x128xi32, #tpu.memory_space<vmem>> -> memref<128xi32, #tpu.memory_space<vmem>>
        %dma_start3A_217 = arith.constant 0 : i32
        %dma_start3A_218 = arith.constant 0 : i32
        %dma_start3A_219 = tpu.memref_slice %arg3[%dma_start3A_217, %dma_start3A_218] : memref<1000000x64xf32, #tpu.memory_space<hbm>> -> memref<1000000x64xf32, #tpu.memory_space<hbm>>
        tpu.enqueue_indirect_dma source(%dma_start3A_219 : memref<1000000x64xf32, #tpu.memory_space<hbm>>) target(%dma_start3A_213 : memref<128x64xf32, #tpu.memory_space<vmem>>) offsets(%dma_start3A_216 : memref<128xi32, #tpu.memory_space<vmem>>) semaphore(%arg8 : memref<!tpu.dma_semaphore, #tpu.memory_space<semaphore_mem>>)
        %dma_start3A_220 = arith.constant 0 : i32
        %dma_start3A_221 = arith.constant 128 : i32
        %dma_start3A_222 = arith.constant 0 : i32
        %dma_start3A_223 = tpu.memref_slice %arg6[%dma_start3A_220, %dma_start3A_221, %dma_start3A_222] : memref<2x256x64xf32, #tpu.memory_space<vmem>> -> memref<1x128x64xf32, #tpu.memory_space<vmem>>
        %dma_start3A_224 = tpu.memref_squeeze %dma_start3A_223 : memref<1x128x64xf32, #tpu.memory_space<vmem>> -> memref<128x64xf32, #tpu.memory_space<vmem>>
        %dma_start3A_225 = arith.constant 128 : i32
        %dma_start3A_226 = tpu.memref_slice %arg5[%add3A_208, %dma_start3A_225] : memref<200x256xi32, #tpu.memory_space<vmem>> -> memref<1x128xi32, #tpu.memory_space<vmem>>
        %dma_start3A_227 = tpu.memref_squeeze %dma_start3A_226 : memref<1x128xi32, #tpu.memory_space<vmem>> -> memref<128xi32, #tpu.memory_space<vmem>>
        %dma_start3A_228 = arith.constant 0 : i32
        %dma_start3A_229 = arith.constant 0 : i32
        %dma_start3A_230 = tpu.memref_slice %arg3[%dma_start3A_228, %dma_start3A_229] : memref<1000000x64xf32, #tpu.memory_space<hbm>> -> memref<1000000x64xf32, #tpu.memory_space<hbm>>
        tpu.enqueue_indirect_dma source(%dma_start3A_230 : memref<1000000x64xf32, #tpu.memory_space<hbm>>) target(%dma_start3A_224 : memref<128x64xf32, #tpu.memory_space<vmem>>) offsets(%dma_start3A_227 : memref<128xi32, #tpu.memory_space<vmem>>) semaphore(%arg8 : memref<!tpu.dma_semaphore, #tpu.memory_space<semaphore_mem>>)
      } else {
      }
      %mul3A_146 = arith.constant 2 : i32
      %mul3A_147 = arith.muli %scan3A_88, %mul3A_146 : i32
      %add3A_148 = arith.constant 1 : i32
      %add3A_149 = arith.addi %mul3A_147, %add3A_148 : i32
      %dma_wait3A_150 = arith.constant 1 : i32
      %dma_wait3A_151 = arith.constant 0 : i32
      %dma_wait3A_152 = arith.constant 0 : i32
      %dma_wait3A_153 = tpu.memref_slice %arg6[%dma_wait3A_150, %dma_wait3A_151, %dma_wait3A_152] : memref<2x256x64xf32, #tpu.memory_space<vmem>> -> memref<1x128x64xf32, #tpu.memory_space<vmem>>
      %dma_wait3A_154 = tpu.memref_squeeze %dma_wait3A_153 : memref<1x128x64xf32, #tpu.memory_space<vmem>> -> memref<128x64xf32, #tpu.memory_space<vmem>>
      %dma_wait3A_155 = arith.constant 0 : i32
      %dma_wait3A_156 = tpu.memref_slice %arg5[%add3A_149, %dma_wait3A_155] : memref<200x256xi32, #tpu.memory_space<vmem>> -> memref<1x128xi32, #tpu.memory_space<vmem>>
      %dma_wait3A_157 = tpu.memref_squeeze %dma_wait3A_156 : memref<1x128xi32, #tpu.memory_space<vmem>> -> memref<128xi32, #tpu.memory_space<vmem>>
      %dma_wait3A_158 = arith.constant 0 : i32
      %dma_wait3A_159 = arith.constant 0 : i32
      %dma_wait3A_160 = tpu.memref_slice %arg3[%dma_wait3A_158, %dma_wait3A_159] : memref<1000000x64xf32, #tpu.memory_space<hbm>> -> memref<1000000x64xf32, #tpu.memory_space<hbm>>
      tpu.wait_indirect_dma semaphore(%arg9 : memref<!tpu.dma_semaphore, #tpu.memory_space<semaphore_mem>>) src(%dma_wait3A_160 : memref<1000000x64xf32, #tpu.memory_space<hbm>>) dst(%dma_wait3A_154 : memref<128x64xf32, #tpu.memory_space<vmem>>)
      %dma_wait3A_161 = arith.constant 1 : i32
      %dma_wait3A_162 = arith.constant 128 : i32
      %dma_wait3A_163 = arith.constant 0 : i32
      %dma_wait3A_164 = tpu.memref_slice %arg6[%dma_wait3A_161, %dma_wait3A_162, %dma_wait3A_163] : memref<2x256x64xf32, #tpu.memory_space<vmem>> -> memref<1x128x64xf32, #tpu.memory_space<vmem>>
      %dma_wait3A_165 = tpu.memref_squeeze %dma_wait3A_164 : memref<1x128x64xf32, #tpu.memory_space<vmem>> -> memref<128x64xf32, #tpu.memory_space<vmem>>
      %dma_wait3A_166 = arith.constant 128 : i32
      %dma_wait3A_167 = tpu.memref_slice %arg5[%add3A_149, %dma_wait3A_166] : memref<200x256xi32, #tpu.memory_space<vmem>> -> memref<1x128xi32, #tpu.memory_space<vmem>>
      %dma_wait3A_168 = tpu.memref_squeeze %dma_wait3A_167 : memref<1x128xi32, #tpu.memory_space<vmem>> -> memref<128xi32, #tpu.memory_space<vmem>>
      %dma_wait3A_169 = arith.constant 0 : i32
      %dma_wait3A_170 = arith.constant 0 : i32
      %dma_wait3A_171 = tpu.memref_slice %arg3[%dma_wait3A_169, %dma_wait3A_170] : memref<1000000x64xf32, #tpu.memory_space<hbm>> -> memref<1000000x64xf32, #tpu.memory_space<hbm>>
      tpu.wait_indirect_dma semaphore(%arg9 : memref<!tpu.dma_semaphore, #tpu.memory_space<semaphore_mem>>) src(%dma_wait3A_171 : memref<1000000x64xf32, #tpu.memory_space<hbm>>) dst(%dma_wait3A_165 : memref<128x64xf32, #tpu.memory_space<vmem>>)
      %gt3A_172 = arith.constant 0 : i32
      %gt3A_173 = arith.cmpi sgt, %scan3A_88, %gt3A_172 : i32
      %convert_element_type3A_174 = arith.extui %gt3A_173 : i1 to i32
      %cond3A_175 = arith.constant 0 : i32
      %cond3A_176 = arith.cmpi ne, %convert_element_type3A_174, %cond3A_175 : i32
      scf.if %cond3A_176 {
        %sub3A = arith.constant 2 : i32
        %sub3A_207 = arith.subi %add3A_149, %sub3A : i32
        %dma_wait3A_208 = arith.constant 1 : i32
        %dma_wait3A_209 = arith.constant 0 : i32
        %dma_wait3A_210 = arith.constant 0 : i32
        %dma_wait3A_211 = tpu.memref_slice %arg7[%dma_wait3A_208, %dma_wait3A_209, %dma_wait3A_210] : memref<2x64x257xf32, #tpu.memory_space<vmem>> -> memref<1x64x256xf32, #tpu.memory_space<vmem>>
        %dma_wait3A_212 = tpu.memref_squeeze %dma_wait3A_211 : memref<1x64x256xf32, #tpu.memory_space<vmem>> -> memref<64x256xf32, #tpu.memory_space<vmem>>
        %dma_wait3A_213 = arith.constant 0 : i32
        %dma_wait3A_214 = arith.constant 0 : i32
        %dma_wait3A_215 = tpu.memref_slice %arg4[%sub3A_207, %dma_wait3A_213, %add3A, %dma_wait3A_214] : memref<200x64x32x256xf32, #tpu.memory_space<hbm>> -> memref<1x64x1x256xf32, #tpu.memory_space<hbm>>
        %dma_wait3A_216 = tpu.memref_squeeze %dma_wait3A_215 : memref<1x64x1x256xf32, #tpu.memory_space<hbm>> -> memref<64x256xf32, #tpu.memory_space<hbm>>
        %dma_wait3A_217 = arith.constant 0 : i32
        %dma_wait3A_218 = arith.constant 0 : i32
        %dma_wait3A_219 = tpu.memref_slice %arg4[%sub3A_207, %dma_wait3A_217, %add3A, %dma_wait3A_218] : memref<200x64x32x256xf32, #tpu.memory_space<hbm>> -> memref<1x64x1x256xf32, #tpu.memory_space<hbm>>
        %dma_wait3A_220 = tpu.memref_squeeze %dma_wait3A_219 : memref<1x64x1x256xf32, #tpu.memory_space<hbm>> -> memref<64x256xf32, #tpu.memory_space<hbm>>
        %dma_wait3A_221 = arith.constant 0 : i32
        %dma_wait3A_222 = arith.constant 0 : i32
        %dma_wait3A_223 = tpu.memref_slice %arg7[%dma_wait3A_208, %dma_wait3A_221, %dma_wait3A_222] : memref<2x64x257xf32, #tpu.memory_space<vmem>> -> memref<1x64x256xf32, #tpu.memory_space<vmem>>
        %dma_wait3A_224 = tpu.memref_squeeze %dma_wait3A_223 : memref<1x64x256xf32, #tpu.memory_space<vmem>> -> memref<64x256xf32, #tpu.memory_space<vmem>>
        tpu.wait_dma2 semaphore(%arg11 : memref<!tpu.dma_semaphore, #tpu.memory_space<semaphore_mem>>) src(%dma_wait3A_224 : memref<64x256xf32, #tpu.memory_space<vmem>>) dst(%dma_wait3A_220 : memref<64x256xf32, #tpu.memory_space<hbm>>)
      } else {
      }
      %scan3A_177 = arith.constant 0 : i32
      %scan3A_178 = arith.constant 0 : i32
      %scan3A_179 = arith.constant 256 : i32
      %scan3A_180 = arith.addi %scan3A_178, %scan3A_179 : i32
      %scan3A_181 = arith.constant 8 : i32
      scf.for %scan3A_207 = %scan3A_178 to %scan3A_180 step %scan3A_181  : i32 {
        %broadcast_in_dim3A = vector.broadcast %scan3A_207 : i32 to vector<16xi32>
        %get3A = arith.constant 1 : i32
        %get3A_208 = arith.index_cast %get3A : i32 to index
        %get3A_209 = arith.index_cast %scan3A_207 : i32 to index
        %get3A_210 = arith.constant 0 : index
        %get3A_211 = tpu.vector_load %arg6[%get3A_208, %get3A_209, %get3A_210] {strides = array<i32>} : memref<2x256x64xf32, #tpu.memory_space<vmem>>, vector<16xf32>,
        %get3A_212 = arith.constant 1 : i32
        %get3A_213 = arith.index_cast %get3A_212 : i32 to index
        %get3A_214 = arith.index_cast %scan3A_207 : i32 to index
        %get3A_215 = arith.constant 16 : index
        %get3A_216 = tpu.vector_load %arg6[%get3A_213, %get3A_214, %get3A_215] {strides = array<i32>} : memref<2x256x64xf32, #tpu.memory_space<vmem>>, vector<16xf32>,
        %get3A_217 = arith.constant 1 : i32
        %get3A_218 = arith.index_cast %get3A_217 : i32 to index
        %get3A_219 = arith.index_cast %scan3A_207 : i32 to index
        %get3A_220 = arith.constant 32 : index
        %get3A_221 = tpu.vector_load %arg6[%get3A_218, %get3A_219, %get3A_220] {strides = array<i32>} : memref<2x256x64xf32, #tpu.memory_space<vmem>>, vector<16xf32>,
        %get3A_222 = arith.constant 1 : i32
        %get3A_223 = arith.index_cast %get3A_222 : i32 to index
        %get3A_224 = arith.index_cast %scan3A_207 : i32 to index
        %get3A_225 = arith.constant 48 : index
        %get3A_226 = tpu.vector_load %arg6[%get3A_223, %get3A_224, %get3A_225] {strides = array<i32>} : memref<2x256x64xf32, #tpu.memory_space<vmem>>, vector<16xf32>,
        %add3A_227 = arith.constant 0 : i32
        %add3A_228 = vector.broadcast %add3A_227 : i32 to vector<16xi32>
        %add3A_229 = arith.addi %add3A_228, %iota3A : vector<16xi32>
        %scatter3A = arith.constant 1 : i32
        %scatter3A_230 = arith.constant 0 : i32
        %scatter3A_231 = arith.constant 0 : i32
        %scatter3A_232 = tpu.memref_slice %arg7[%scatter3A, %scatter3A_230, %scatter3A_231] : memref<2x64x257xf32, #tpu.memory_space<vmem>> -> memref<1x64x257xf32, #tpu.memory_space<vmem>>
        %scatter3A_233 = tpu.memref_squeeze %scatter3A_232 : memref<1x64x257xf32, #tpu.memory_space<vmem>> -> memref<64x257xf32, #tpu.memory_space<vmem>>
        tpu.vector_store_idx %scatter3A_233[%add3A_229, %broadcast_in_dim3A], %get3A_211 : memref<64x257xf32, #tpu.memory_space<vmem>>[vector<16xi32>, vector<16xi32>], vector<16xf32>,
        %add3A_234 = arith.constant 16 : i32
        %add3A_235 = vector.broadcast %add3A_234 : i32 to vector<16xi32>
        %add3A_236 = arith.addi %add3A_235, %iota3A : vector<16xi32>
        %scatter3A_237 = arith.constant 1 : i32
        %scatter3A_238 = arith.constant 0 : i32
        %scatter3A_239 = arith.constant 0 : i32
        %scatter3A_240 = tpu.memref_slice %arg7[%scatter3A_237, %scatter3A_238, %scatter3A_239] : memref<2x64x257xf32, #tpu.memory_space<vmem>> -> memref<1x64x257xf32, #tpu.memory_space<vmem>>
        %scatter3A_241 = tpu.memref_squeeze %scatter3A_240 : memref<1x64x257xf32, #tpu.memory_space<vmem>> -> memref<64x257xf32, #tpu.memory_space<vmem>>
        tpu.vector_store_idx %scatter3A_241[%add3A_236, %broadcast_in_dim3A], %get3A_216 : memref<64x257xf32, #tpu.memory_space<vmem>>[vector<16xi32>, vector<16xi32>], vector<16xf32>,
        %add3A_242 = arith.constant 32 : i32
        %add3A_243 = vector.broadcast %add3A_242 : i32 to vector<16xi32>
        %add3A_244 = arith.addi %add3A_243, %iota3A : vector<16xi32>
        %scatter3A_245 = arith.constant 1 : i32
        %scatter3A_246 = arith.constant 0 : i32
        %scatter3A_247 = arith.constant 0 : i32
        %scatter3A_248 = tpu.memref_slice %arg7[%scatter3A_245, %scatter3A_246, %scatter3A_247] : memref<2x64x257xf32, #tpu.memory_space<vmem>> -> memref<1x64x257xf32, #tpu.memory_space<vmem>>
        %scatter3A_249 = tpu.memref_squeeze %scatter3A_248 : memref<1x64x257xf32, #tpu.memory_space<vmem>> -> memref<64x257xf32, #tpu.memory_space<vmem>>
        tpu.vector_store_idx %scatter3A_249[%add3A_244, %broadcast_in_dim3A], %get3A_221 : memref<64x257xf32, #tpu.memory_space<vmem>>[vector<16xi32>, vector<16xi32>], vector<16xf32>,
        %add3A_250 = arith.constant 48 : i32
        %add3A_251 = vector.broadcast %add3A_250 : i32 to vector<16xi32>
        %add3A_252 = arith.addi %add3A_251, %iota3A : vector<16xi32>
        %scatter3A_253 = arith.constant 1 : i32
        %scatter3A_254 = arith.constant 0 : i32
        %scatter3A_255 = arith.constant 0 : i32
        %scatter3A_256 = tpu.memref_slice %arg7[%scatter3A_253, %scatter3A_254, %scatter3A_255] : memref<2x64x257xf32, #tpu.memory_space<vmem>> -> memref<1x64x257xf32, #tpu.memory_space<vmem>>
        %scatter3A_257 = tpu.memref_squeeze %scatter3A_256 : memref<1x64x257xf32, #tpu.memory_space<vmem>> -> memref<64x257xf32, #tpu.memory_space<vmem>>
        tpu.vector_store_idx %scatter3A_257[%add3A_252, %broadcast_in_dim3A], %get3A_226 : memref<64x257xf32, #tpu.memory_space<vmem>>[vector<16xi32>, vector<16xi32>], vector<16xf32>,
        %scan3A_258 = arith.constant 1 : i32
        %scan3A_259 = arith.addi %scan3A_207, %scan3A_258 : i32
        %broadcast_in_dim3A_260 = vector.broadcast %scan3A_259 : i32 to vector<16xi32>
        %get3A_261 = arith.constant 1 : i32
        %get3A_262 = arith.index_cast %get3A_261 : i32 to index
        %get3A_263 = arith.index_cast %scan3A_259 : i32 to index
        %get3A_264 = arith.constant 0 : index
        %get3A_265 = tpu.vector_load %arg6[%get3A_262, %get3A_263, %get3A_264] {strides = array<i32>} : memref<2x256x64xf32, #tpu.memory_space<vmem>>, vector<16xf32>,
        %get3A_266 = arith.constant 1 : i32
        %get3A_267 = arith.index_cast %get3A_266 : i32 to index
        %get3A_268 = arith.index_cast %scan3A_259 : i32 to index
        %get3A_269 = arith.constant 16 : index
        %get3A_270 = tpu.vector_load %arg6[%get3A_267, %get3A_268, %get3A_269] {strides = array<i32>} : memref<2x256x64xf32, #tpu.memory_space<vmem>>, vector<16xf32>,
        %get3A_271 = arith.constant 1 : i32
        %get3A_272 = arith.index_cast %get3A_271 : i32 to index
        %get3A_273 = arith.index_cast %scan3A_259 : i32 to index
        %get3A_274 = arith.constant 32 : index
        %get3A_275 = tpu.vector_load %arg6[%get3A_272, %get3A_273, %get3A_274] {strides = array<i32>} : memref<2x256x64xf32, #tpu.memory_space<vmem>>, vector<16xf32>,
        %get3A_276 = arith.constant 1 : i32
        %get3A_277 = arith.index_cast %get3A_276 : i32 to index
        %get3A_278 = arith.index_cast %scan3A_259 : i32 to index
        %get3A_279 = arith.constant 48 : index
        %get3A_280 = tpu.vector_load %arg6[%get3A_277, %get3A_278, %get3A_279] {strides = array<i32>} : memref<2x256x64xf32, #tpu.memory_space<vmem>>, vector<16xf32>,
        %add3A_281 = arith.constant 0 : i32
        %add3A_282 = vector.broadcast %add3A_281 : i32 to vector<16xi32>
        %add3A_283 = arith.addi %add3A_282, %iota3A : vector<16xi32>
        %scatter3A_284 = arith.constant 1 : i32
        %scatter3A_285 = arith.constant 0 : i32
        %scatter3A_286 = arith.constant 0 : i32
        %scatter3A_287 = tpu.memref_slice %arg7[%scatter3A_284, %scatter3A_285, %scatter3A_286] : memref<2x64x257xf32, #tpu.memory_space<vmem>> -> memref<1x64x257xf32, #tpu.memory_space<vmem>>
        %scatter3A_288 = tpu.memref_squeeze %scatter3A_287 : memref<1x64x257xf32, #tpu.memory_space<vmem>> -> memref<64x257xf32, #tpu.memory_space<vmem>>
        tpu.vector_store_idx %scatter3A_288[%add3A_283, %broadcast_in_dim3A_260], %get3A_265 : memref<64x257xf32, #tpu.memory_space<vmem>>[vector<16xi32>, vector<16xi32>], vector<16xf32>,
        %add3A_289 = arith.constant 16 : i32
        %add3A_290 = vector.broadcast %add3A_289 : i32 to vector<16xi32>
        %add3A_291 = arith.addi %add3A_290, %iota3A : vector<16xi32>
        %scatter3A_292 = arith.constant 1 : i32
        %scatter3A_293 = arith.constant 0 : i32
        %scatter3A_294 = arith.constant 0 : i32
        %scatter3A_295 = tpu.memref_slice %arg7[%scatter3A_292, %scatter3A_293, %scatter3A_294] : memref<2x64x257xf32, #tpu.memory_space<vmem>> -> memref<1x64x257xf32, #tpu.memory_space<vmem>>
        %scatter3A_296 = tpu.memref_squeeze %scatter3A_295 : memref<1x64x257xf32, #tpu.memory_space<vmem>> -> memref<64x257xf32, #tpu.memory_space<vmem>>
        tpu.vector_store_idx %scatter3A_296[%add3A_291, %broadcast_in_dim3A_260], %get3A_270 : memref<64x257xf32, #tpu.memory_space<vmem>>[vector<16xi32>, vector<16xi32>], vector<16xf32>,
        %add3A_297 = arith.constant 32 : i32
        %add3A_298 = vector.broadcast %add3A_297 : i32 to vector<16xi32>
        %add3A_299 = arith.addi %add3A_298, %iota3A : vector<16xi32>
        %scatter3A_300 = arith.constant 1 : i32
        %scatter3A_301 = arith.constant 0 : i32
        %scatter3A_302 = arith.constant 0 : i32
        %scatter3A_303 = tpu.memref_slice %arg7[%scatter3A_300, %scatter3A_301, %scatter3A_302] : memref<2x64x257xf32, #tpu.memory_space<vmem>> -> memref<1x64x257xf32, #tpu.memory_space<vmem>>
        %scatter3A_304 = tpu.memref_squeeze %scatter3A_303 : memref<1x64x257xf32, #tpu.memory_space<vmem>> -> memref<64x257xf32, #tpu.memory_space<vmem>>
        tpu.vector_store_idx %scatter3A_304[%add3A_299, %broadcast_in_dim3A_260], %get3A_275 : memref<64x257xf32, #tpu.memory_space<vmem>>[vector<16xi32>, vector<16xi32>], vector<16xf32>,
        %add3A_305 = arith.constant 48 : i32
        %add3A_306 = vector.broadcast %add3A_305 : i32 to vector<16xi32>
        %add3A_307 = arith.addi %add3A_306, %iota3A : vector<16xi32>
        %scatter3A_308 = arith.constant 1 : i32
        %scatter3A_309 = arith.constant 0 : i32
        %scatter3A_310 = arith.constant 0 : i32
        %scatter3A_311 = tpu.memref_slice %arg7[%scatter3A_308, %scatter3A_309, %scatter3A_310] : memref<2x64x257xf32, #tpu.memory_space<vmem>> -> memref<1x64x257xf32, #tpu.memory_space<vmem>>
        %scatter3A_312 = tpu.memref_squeeze %scatter3A_311 : memref<1x64x257xf32, #tpu.memory_space<vmem>> -> memref<64x257xf32, #tpu.memory_space<vmem>>
        tpu.vector_store_idx %scatter3A_312[%add3A_307, %broadcast_in_dim3A_260], %get3A_280 : memref<64x257xf32, #tpu.memory_space<vmem>>[vector<16xi32>, vector<16xi32>], vector<16xf32>,
        %scan3A_313 = arith.constant 2 : i32
        %scan3A_314 = arith.addi %scan3A_207, %scan3A_313 : i32
        %broadcast_in_dim3A_315 = vector.broadcast %scan3A_314 : i32 to vector<16xi32>
        %get3A_316 = arith.constant 1 : i32
        %get3A_317 = arith.index_cast %get3A_316 : i32 to index
        %get3A_318 = arith.index_cast %scan3A_314 : i32 to index
        %get3A_319 = arith.constant 0 : index
        %get3A_320 = tpu.vector_load %arg6[%get3A_317, %get3A_318, %get3A_319] {strides = array<i32>} : memref<2x256x64xf32, #tpu.memory_space<vmem>>, vector<16xf32>,
        %get3A_321 = arith.constant 1 : i32
        %get3A_322 = arith.index_cast %get3A_321 : i32 to index
        %get3A_323 = arith.index_cast %scan3A_314 : i32 to index
        %get3A_324 = arith.constant 16 : index
        %get3A_325 = tpu.vector_load %arg6[%get3A_322, %get3A_323, %get3A_324] {strides = array<i32>} : memref<2x256x64xf32, #tpu.memory_space<vmem>>, vector<16xf32>,
        %get3A_326 = arith.constant 1 : i32
        %get3A_327 = arith.index_cast %get3A_326 : i32 to index
        %get3A_328 = arith.index_cast %scan3A_314 : i32 to index
        %get3A_329 = arith.constant 32 : index
        %get3A_330 = tpu.vector_load %arg6[%get3A_327, %get3A_328, %get3A_329] {strides = array<i32>} : memref<2x256x64xf32, #tpu.memory_space<vmem>>, vector<16xf32>,
        %get3A_331 = arith.constant 1 : i32
        %get3A_332 = arith.index_cast %get3A_331 : i32 to index
        %get3A_333 = arith.index_cast %scan3A_314 : i32 to index
        %get3A_334 = arith.constant 48 : index
        %get3A_335 = tpu.vector_load %arg6[%get3A_332, %get3A_333, %get3A_334] {strides = array<i32>} : memref<2x256x64xf32, #tpu.memory_space<vmem>>, vector<16xf32>,
        %add3A_336 = arith.constant 0 : i32
        %add3A_337 = vector.broadcast %add3A_336 : i32 to vector<16xi32>
        %add3A_338 = arith.addi %add3A_337, %iota3A : vector<16xi32>
        %scatter3A_339 = arith.constant 1 : i32
        %scatter3A_340 = arith.constant 0 : i32
        %scatter3A_341 = arith.constant 0 : i32
        %scatter3A_342 = tpu.memref_slice %arg7[%scatter3A_339, %scatter3A_340, %scatter3A_341] : memref<2x64x257xf32, #tpu.memory_space<vmem>> -> memref<1x64x257xf32, #tpu.memory_space<vmem>>
        %scatter3A_343 = tpu.memref_squeeze %scatter3A_342 : memref<1x64x257xf32, #tpu.memory_space<vmem>> -> memref<64x257xf32, #tpu.memory_space<vmem>>
        tpu.vector_store_idx %scatter3A_343[%add3A_338, %broadcast_in_dim3A_315], %get3A_320 : memref<64x257xf32, #tpu.memory_space<vmem>>[vector<16xi32>, vector<16xi32>], vector<16xf32>,
        %add3A_344 = arith.constant 16 : i32
        %add3A_345 = vector.broadcast %add3A_344 : i32 to vector<16xi32>
        %add3A_346 = arith.addi %add3A_345, %iota3A : vector<16xi32>
        %scatter3A_347 = arith.constant 1 : i32
        %scatter3A_348 = arith.constant 0 : i32
        %scatter3A_349 = arith.constant 0 : i32
        %scatter3A_350 = tpu.memref_slice %arg7[%scatter3A_347, %scatter3A_348, %scatter3A_349] : memref<2x64x257xf32, #tpu.memory_space<vmem>> -> memref<1x64x257xf32, #tpu.memory_space<vmem>>
        %scatter3A_351 = tpu.memref_squeeze %scatter3A_350 : memref<1x64x257xf32, #tpu.memory_space<vmem>> -> memref<64x257xf32, #tpu.memory_space<vmem>>
        tpu.vector_store_idx %scatter3A_351[%add3A_346, %broadcast_in_dim3A_315], %get3A_325 : memref<64x257xf32, #tpu.memory_space<vmem>>[vector<16xi32>, vector<16xi32>], vector<16xf32>,
        %add3A_352 = arith.constant 32 : i32
        %add3A_353 = vector.broadcast %add3A_352 : i32 to vector<16xi32>
        %add3A_354 = arith.addi %add3A_353, %iota3A : vector<16xi32>
        %scatter3A_355 = arith.constant 1 : i32
        %scatter3A_356 = arith.constant 0 : i32
        %scatter3A_357 = arith.constant 0 : i32
        %scatter3A_358 = tpu.memref_slice %arg7[%scatter3A_355, %scatter3A_356, %scatter3A_357] : memref<2x64x257xf32, #tpu.memory_space<vmem>> -> memref<1x64x257xf32, #tpu.memory_space<vmem>>
        %scatter3A_359 = tpu.memref_squeeze %scatter3A_358 : memref<1x64x257xf32, #tpu.memory_space<vmem>> -> memref<64x257xf32, #tpu.memory_space<vmem>>
        tpu.vector_store_idx %scatter3A_359[%add3A_354, %broadcast_in_dim3A_315], %get3A_330 : memref<64x257xf32, #tpu.memory_space<vmem>>[vector<16xi32>, vector<16xi32>], vector<16xf32>,
        %add3A_360 = arith.constant 48 : i32
        %add3A_361 = vector.broadcast %add3A_360 : i32 to vector<16xi32>
        %add3A_362 = arith.addi %add3A_361, %iota3A : vector<16xi32>
        %scatter3A_363 = arith.constant 1 : i32
        %scatter3A_364 = arith.constant 0 : i32
        %scatter3A_365 = arith.constant 0 : i32
        %scatter3A_366 = tpu.memref_slice %arg7[%scatter3A_363, %scatter3A_364, %scatter3A_365] : memref<2x64x257xf32, #tpu.memory_space<vmem>> -> memref<1x64x257xf32, #tpu.memory_space<vmem>>
        %scatter3A_367 = tpu.memref_squeeze %scatter3A_366 : memref<1x64x257xf32, #tpu.memory_space<vmem>> -> memref<64x257xf32, #tpu.memory_space<vmem>>
        tpu.vector_store_idx %scatter3A_367[%add3A_362, %broadcast_in_dim3A_315], %get3A_335 : memref<64x257xf32, #tpu.memory_space<vmem>>[vector<16xi32>, vector<16xi32>], vector<16xf32>,
        %scan3A_368 = arith.constant 3 : i32
        %scan3A_369 = arith.addi %scan3A_207, %scan3A_368 : i32
        %broadcast_in_dim3A_370 = vector.broadcast %scan3A_369 : i32 to vector<16xi32>
        %get3A_371 = arith.constant 1 : i32
        %get3A_372 = arith.index_cast %get3A_371 : i32 to index
        %get3A_373 = arith.index_cast %scan3A_369 : i32 to index
        %get3A_374 = arith.constant 0 : index
        %get3A_375 = tpu.vector_load %arg6[%get3A_372, %get3A_373, %get3A_374] {strides = array<i32>} : memref<2x256x64xf32, #tpu.memory_space<vmem>>, vector<16xf32>,
        %get3A_376 = arith.constant 1 : i32
        %get3A_377 = arith.index_cast %get3A_376 : i32 to index
        %get3A_378 = arith.index_cast %scan3A_369 : i32 to index
        %get3A_379 = arith.constant 16 : index
        %get3A_380 = tpu.vector_load %arg6[%get3A_377, %get3A_378, %get3A_379] {strides = array<i32>} : memref<2x256x64xf32, #tpu.memory_space<vmem>>, vector<16xf32>,
        %get3A_381 = arith.constant 1 : i32
        %get3A_382 = arith.index_cast %get3A_381 : i32 to index
        %get3A_383 = arith.index_cast %scan3A_369 : i32 to index
        %get3A_384 = arith.constant 32 : index
        %get3A_385 = tpu.vector_load %arg6[%get3A_382, %get3A_383, %get3A_384] {strides = array<i32>} : memref<2x256x64xf32, #tpu.memory_space<vmem>>, vector<16xf32>,
        %get3A_386 = arith.constant 1 : i32
        %get3A_387 = arith.index_cast %get3A_386 : i32 to index
        %get3A_388 = arith.index_cast %scan3A_369 : i32 to index
        %get3A_389 = arith.constant 48 : index
        %get3A_390 = tpu.vector_load %arg6[%get3A_387, %get3A_388, %get3A_389] {strides = array<i32>} : memref<2x256x64xf32, #tpu.memory_space<vmem>>, vector<16xf32>,
        %add3A_391 = arith.constant 0 : i32
        %add3A_392 = vector.broadcast %add3A_391 : i32 to vector<16xi32>
        %add3A_393 = arith.addi %add3A_392, %iota3A : vector<16xi32>
        %scatter3A_394 = arith.constant 1 : i32
        %scatter3A_395 = arith.constant 0 : i32
        %scatter3A_396 = arith.constant 0 : i32
        %scatter3A_397 = tpu.memref_slice %arg7[%scatter3A_394, %scatter3A_395, %scatter3A_396] : memref<2x64x257xf32, #tpu.memory_space<vmem>> -> memref<1x64x257xf32, #tpu.memory_space<vmem>>
        %scatter3A_398 = tpu.memref_squeeze %scatter3A_397 : memref<1x64x257xf32, #tpu.memory_space<vmem>> -> memref<64x257xf32, #tpu.memory_space<vmem>>
        tpu.vector_store_idx %scatter3A_398[%add3A_393, %broadcast_in_dim3A_370], %get3A_375 : memref<64x257xf32, #tpu.memory_space<vmem>>[vector<16xi32>, vector<16xi32>], vector<16xf32>,
        %add3A_399 = arith.constant 16 : i32
        %add3A_400 = vector.broadcast %add3A_399 : i32 to vector<16xi32>
        %add3A_401 = arith.addi %add3A_400, %iota3A : vector<16xi32>
        %scatter3A_402 = arith.constant 1 : i32
        %scatter3A_403 = arith.constant 0 : i32
        %scatter3A_404 = arith.constant 0 : i32
        %scatter3A_405 = tpu.memref_slice %arg7[%scatter3A_402, %scatter3A_403, %scatter3A_404] : memref<2x64x257xf32, #tpu.memory_space<vmem>> -> memref<1x64x257xf32, #tpu.memory_space<vmem>>
        %scatter3A_406 = tpu.memref_squeeze %scatter3A_405 : memref<1x64x257xf32, #tpu.memory_space<vmem>> -> memref<64x257xf32, #tpu.memory_space<vmem>>
        tpu.vector_store_idx %scatter3A_406[%add3A_401, %broadcast_in_dim3A_370], %get3A_380 : memref<64x257xf32, #tpu.memory_space<vmem>>[vector<16xi32>, vector<16xi32>], vector<16xf32>,
        %add3A_407 = arith.constant 32 : i32
        %add3A_408 = vector.broadcast %add3A_407 : i32 to vector<16xi32>
        %add3A_409 = arith.addi %add3A_408, %iota3A : vector<16xi32>
        %scatter3A_410 = arith.constant 1 : i32
        %scatter3A_411 = arith.constant 0 : i32
        %scatter3A_412 = arith.constant 0 : i32
        %scatter3A_413 = tpu.memref_slice %arg7[%scatter3A_410, %scatter3A_411, %scatter3A_412] : memref<2x64x257xf32, #tpu.memory_space<vmem>> -> memref<1x64x257xf32, #tpu.memory_space<vmem>>
        %scatter3A_414 = tpu.memref_squeeze %scatter3A_413 : memref<1x64x257xf32, #tpu.memory_space<vmem>> -> memref<64x257xf32, #tpu.memory_space<vmem>>
        tpu.vector_store_idx %scatter3A_414[%add3A_409, %broadcast_in_dim3A_370], %get3A_385 : memref<64x257xf32, #tpu.memory_space<vmem>>[vector<16xi32>, vector<16xi32>], vector<16xf32>,
        %add3A_415 = arith.constant 48 : i32
        %add3A_416 = vector.broadcast %add3A_415 : i32 to vector<16xi32>
        %add3A_417 = arith.addi %add3A_416, %iota3A : vector<16xi32>
        %scatter3A_418 = arith.constant 1 : i32
        %scatter3A_419 = arith.constant 0 : i32
        %scatter3A_420 = arith.constant 0 : i32
        %scatter3A_421 = tpu.memref_slice %arg7[%scatter3A_418, %scatter3A_419, %scatter3A_420] : memref<2x64x257xf32, #tpu.memory_space<vmem>> -> memref<1x64x257xf32, #tpu.memory_space<vmem>>
        %scatter3A_422 = tpu.memref_squeeze %scatter3A_421 : memref<1x64x257xf32, #tpu.memory_space<vmem>> -> memref<64x257xf32, #tpu.memory_space<vmem>>
        tpu.vector_store_idx %scatter3A_422[%add3A_417, %broadcast_in_dim3A_370], %get3A_390 : memref<64x257xf32, #tpu.memory_space<vmem>>[vector<16xi32>, vector<16xi32>], vector<16xf32>,
        %scan3A_423 = arith.constant 4 : i32
        %scan3A_424 = arith.addi %scan3A_207, %scan3A_423 : i32
        %broadcast_in_dim3A_425 = vector.broadcast %scan3A_424 : i32 to vector<16xi32>
        %get3A_426 = arith.constant 1 : i32
        %get3A_427 = arith.index_cast %get3A_426 : i32 to index
        %get3A_428 = arith.index_cast %scan3A_424 : i32 to index
        %get3A_429 = arith.constant 0 : index
        %get3A_430 = tpu.vector_load %arg6[%get3A_427, %get3A_428, %get3A_429] {strides = array<i32>} : memref<2x256x64xf32, #tpu.memory_space<vmem>>, vector<16xf32>,
        %get3A_431 = arith.constant 1 : i32
        %get3A_432 = arith.index_cast %get3A_431 : i32 to index
        %get3A_433 = arith.index_cast %scan3A_424 : i32 to index
        %get3A_434 = arith.constant 16 : index
        %get3A_435 = tpu.vector_load %arg6[%get3A_432, %get3A_433, %get3A_434] {strides = array<i32>} : memref<2x256x64xf32, #tpu.memory_space<vmem>>, vector<16xf32>,
        %get3A_436 = arith.constant 1 : i32
        %get3A_437 = arith.index_cast %get3A_436 : i32 to index
        %get3A_438 = arith.index_cast %scan3A_424 : i32 to index
        %get3A_439 = arith.constant 32 : index
        %get3A_440 = tpu.vector_load %arg6[%get3A_437, %get3A_438, %get3A_439] {strides = array<i32>} : memref<2x256x64xf32, #tpu.memory_space<vmem>>, vector<16xf32>,
        %get3A_441 = arith.constant 1 : i32
        %get3A_442 = arith.index_cast %get3A_441 : i32 to index
        %get3A_443 = arith.index_cast %scan3A_424 : i32 to index
        %get3A_444 = arith.constant 48 : index
        %get3A_445 = tpu.vector_load %arg6[%get3A_442, %get3A_443, %get3A_444] {strides = array<i32>} : memref<2x256x64xf32, #tpu.memory_space<vmem>>, vector<16xf32>,
        %add3A_446 = arith.constant 0 : i32
        %add3A_447 = vector.broadcast %add3A_446 : i32 to vector<16xi32>
        %add3A_448 = arith.addi %add3A_447, %iota3A : vector<16xi32>
        %scatter3A_449 = arith.constant 1 : i32
        %scatter3A_450 = arith.constant 0 : i32
        %scatter3A_451 = arith.constant 0 : i32
        %scatter3A_452 = tpu.memref_slice %arg7[%scatter3A_449, %scatter3A_450, %scatter3A_451] : memref<2x64x257xf32, #tpu.memory_space<vmem>> -> memref<1x64x257xf32, #tpu.memory_space<vmem>>
        %scatter3A_453 = tpu.memref_squeeze %scatter3A_452 : memref<1x64x257xf32, #tpu.memory_space<vmem>> -> memref<64x257xf32, #tpu.memory_space<vmem>>
        tpu.vector_store_idx %scatter3A_453[%add3A_448, %broadcast_in_dim3A_425], %get3A_430 : memref<64x257xf32, #tpu.memory_space<vmem>>[vector<16xi32>, vector<16xi32>], vector<16xf32>,
        %add3A_454 = arith.constant 16 : i32
        %add3A_455 = vector.broadcast %add3A_454 : i32 to vector<16xi32>
        %add3A_456 = arith.addi %add3A_455, %iota3A : vector<16xi32>
        %scatter3A_457 = arith.constant 1 : i32
        %scatter3A_458 = arith.constant 0 : i32
        %scatter3A_459 = arith.constant 0 : i32
        %scatter3A_460 = tpu.memref_slice %arg7[%scatter3A_457, %scatter3A_458, %scatter3A_459] : memref<2x64x257xf32, #tpu.memory_space<vmem>> -> memref<1x64x257xf32, #tpu.memory_space<vmem>>
        %scatter3A_461 = tpu.memref_squeeze %scatter3A_460 : memref<1x64x257xf32, #tpu.memory_space<vmem>> -> memref<64x257xf32, #tpu.memory_space<vmem>>
        tpu.vector_store_idx %scatter3A_461[%add3A_456, %broadcast_in_dim3A_425], %get3A_435 : memref<64x257xf32, #tpu.memory_space<vmem>>[vector<16xi32>, vector<16xi32>], vector<16xf32>,
        %add3A_462 = arith.constant 32 : i32
        %add3A_463 = vector.broadcast %add3A_462 : i32 to vector<16xi32>
        %add3A_464 = arith.addi %add3A_463, %iota3A : vector<16xi32>
        %scatter3A_465 = arith.constant 1 : i32
        %scatter3A_466 = arith.constant 0 : i32
        %scatter3A_467 = arith.constant 0 : i32
        %scatter3A_468 = tpu.memref_slice %arg7[%scatter3A_465, %scatter3A_466, %scatter3A_467] : memref<2x64x257xf32, #tpu.memory_space<vmem>> -> memref<1x64x257xf32, #tpu.memory_space<vmem>>
        %scatter3A_469 = tpu.memref_squeeze %scatter3A_468 : memref<1x64x257xf32, #tpu.memory_space<vmem>> -> memref<64x257xf32, #tpu.memory_space<vmem>>
        tpu.vector_store_idx %scatter3A_469[%add3A_464, %broadcast_in_dim3A_425], %get3A_440 : memref<64x257xf32, #tpu.memory_space<vmem>>[vector<16xi32>, vector<16xi32>], vector<16xf32>,
        %add3A_470 = arith.constant 48 : i32
        %add3A_471 = vector.broadcast %add3A_470 : i32 to vector<16xi32>
        %add3A_472 = arith.addi %add3A_471, %iota3A : vector<16xi32>
        %scatter3A_473 = arith.constant 1 : i32
        %scatter3A_474 = arith.constant 0 : i32
        %scatter3A_475 = arith.constant 0 : i32
        %scatter3A_476 = tpu.memref_slice %arg7[%scatter3A_473, %scatter3A_474, %scatter3A_475] : memref<2x64x257xf32, #tpu.memory_space<vmem>> -> memref<1x64x257xf32, #tpu.memory_space<vmem>>
        %scatter3A_477 = tpu.memref_squeeze %scatter3A_476 : memref<1x64x257xf32, #tpu.memory_space<vmem>> -> memref<64x257xf32, #tpu.memory_space<vmem>>
        tpu.vector_store_idx %scatter3A_477[%add3A_472, %broadcast_in_dim3A_425], %get3A_445 : memref<64x257xf32, #tpu.memory_space<vmem>>[vector<16xi32>, vector<16xi32>], vector<16xf32>,
        %scan3A_478 = arith.constant 5 : i32
        %scan3A_479 = arith.addi %scan3A_207, %scan3A_478 : i32
        %broadcast_in_dim3A_480 = vector.broadcast %scan3A_479 : i32 to vector<16xi32>
        %get3A_481 = arith.constant 1 : i32
        %get3A_482 = arith.index_cast %get3A_481 : i32 to index
        %get3A_483 = arith.index_cast %scan3A_479 : i32 to index
        %get3A_484 = arith.constant 0 : index
        %get3A_485 = tpu.vector_load %arg6[%get3A_482, %get3A_483, %get3A_484] {strides = array<i32>} : memref<2x256x64xf32, #tpu.memory_space<vmem>>, vector<16xf32>,
        %get3A_486 = arith.constant 1 : i32
        %get3A_487 = arith.index_cast %get3A_486 : i32 to index
        %get3A_488 = arith.index_cast %scan3A_479 : i32 to index
        %get3A_489 = arith.constant 16 : index
        %get3A_490 = tpu.vector_load %arg6[%get3A_487, %get3A_488, %get3A_489] {strides = array<i32>} : memref<2x256x64xf32, #tpu.memory_space<vmem>>, vector<16xf32>,
        %get3A_491 = arith.constant 1 : i32
        %get3A_492 = arith.index_cast %get3A_491 : i32 to index
        %get3A_493 = arith.index_cast %scan3A_479 : i32 to index
        %get3A_494 = arith.constant 32 : index
        %get3A_495 = tpu.vector_load %arg6[%get3A_492, %get3A_493, %get3A_494] {strides = array<i32>} : memref<2x256x64xf32, #tpu.memory_space<vmem>>, vector<16xf32>,
        %get3A_496 = arith.constant 1 : i32
        %get3A_497 = arith.index_cast %get3A_496 : i32 to index
        %get3A_498 = arith.index_cast %scan3A_479 : i32 to index
        %get3A_499 = arith.constant 48 : index
        %get3A_500 = tpu.vector_load %arg6[%get3A_497, %get3A_498, %get3A_499] {strides = array<i32>} : memref<2x256x64xf32, #tpu.memory_space<vmem>>, vector<16xf32>,
        %add3A_501 = arith.constant 0 : i32
        %add3A_502 = vector.broadcast %add3A_501 : i32 to vector<16xi32>
        %add3A_503 = arith.addi %add3A_502, %iota3A : vector<16xi32>
        %scatter3A_504 = arith.constant 1 : i32
        %scatter3A_505 = arith.constant 0 : i32
        %scatter3A_506 = arith.constant 0 : i32
        %scatter3A_507 = tpu.memref_slice %arg7[%scatter3A_504, %scatter3A_505, %scatter3A_506] : memref<2x64x257xf32, #tpu.memory_space<vmem>> -> memref<1x64x257xf32, #tpu.memory_space<vmem>>
        %scatter3A_508 = tpu.memref_squeeze %scatter3A_507 : memref<1x64x257xf32, #tpu.memory_space<vmem>> -> memref<64x257xf32, #tpu.memory_space<vmem>>
        tpu.vector_store_idx %scatter3A_508[%add3A_503, %broadcast_in_dim3A_480], %get3A_485 : memref<64x257xf32, #tpu.memory_space<vmem>>[vector<16xi32>, vector<16xi32>], vector<16xf32>,
        %add3A_509 = arith.constant 16 : i32
        %add3A_510 = vector.broadcast %add3A_509 : i32 to vector<16xi32>
        %add3A_511 = arith.addi %add3A_510, %iota3A : vector<16xi32>
        %scatter3A_512 = arith.constant 1 : i32
        %scatter3A_513 = arith.constant 0 : i32
        %scatter3A_514 = arith.constant 0 : i32
        %scatter3A_515 = tpu.memref_slice %arg7[%scatter3A_512, %scatter3A_513, %scatter3A_514] : memref<2x64x257xf32, #tpu.memory_space<vmem>> -> memref<1x64x257xf32, #tpu.memory_space<vmem>>
        %scatter3A_516 = tpu.memref_squeeze %scatter3A_515 : memref<1x64x257xf32, #tpu.memory_space<vmem>> -> memref<64x257xf32, #tpu.memory_space<vmem>>
        tpu.vector_store_idx %scatter3A_516[%add3A_511, %broadcast_in_dim3A_480], %get3A_490 : memref<64x257xf32, #tpu.memory_space<vmem>>[vector<16xi32>, vector<16xi32>], vector<16xf32>,
        %add3A_517 = arith.constant 32 : i32
        %add3A_518 = vector.broadcast %add3A_517 : i32 to vector<16xi32>
        %add3A_519 = arith.addi %add3A_518, %iota3A : vector<16xi32>
        %scatter3A_520 = arith.constant 1 : i32
        %scatter3A_521 = arith.constant 0 : i32
        %scatter3A_522 = arith.constant 0 : i32
        %scatter3A_523 = tpu.memref_slice %arg7[%scatter3A_520, %scatter3A_521, %scatter3A_522] : memref<2x64x257xf32, #tpu.memory_space<vmem>> -> memref<1x64x257xf32, #tpu.memory_space<vmem>>
        %scatter3A_524 = tpu.memref_squeeze %scatter3A_523 : memref<1x64x257xf32, #tpu.memory_space<vmem>> -> memref<64x257xf32, #tpu.memory_space<vmem>>
        tpu.vector_store_idx %scatter3A_524[%add3A_519, %broadcast_in_dim3A_480], %get3A_495 : memref<64x257xf32, #tpu.memory_space<vmem>>[vector<16xi32>, vector<16xi32>], vector<16xf32>,
        %add3A_525 = arith.constant 48 : i32
        %add3A_526 = vector.broadcast %add3A_525 : i32 to vector<16xi32>
        %add3A_527 = arith.addi %add3A_526, %iota3A : vector<16xi32>
        %scatter3A_528 = arith.constant 1 : i32
        %scatter3A_529 = arith.constant 0 : i32
        %scatter3A_530 = arith.constant 0 : i32
        %scatter3A_531 = tpu.memref_slice %arg7[%scatter3A_528, %scatter3A_529, %scatter3A_530] : memref<2x64x257xf32, #tpu.memory_space<vmem>> -> memref<1x64x257xf32, #tpu.memory_space<vmem>>
        %scatter3A_532 = tpu.memref_squeeze %scatter3A_531 : memref<1x64x257xf32, #tpu.memory_space<vmem>> -> memref<64x257xf32, #tpu.memory_space<vmem>>
        tpu.vector_store_idx %scatter3A_532[%add3A_527, %broadcast_in_dim3A_480], %get3A_500 : memref<64x257xf32, #tpu.memory_space<vmem>>[vector<16xi32>, vector<16xi32>], vector<16xf32>,
        %scan3A_533 = arith.constant 6 : i32
        %scan3A_534 = arith.addi %scan3A_207, %scan3A_533 : i32
        %broadcast_in_dim3A_535 = vector.broadcast %scan3A_534 : i32 to vector<16xi32>
        %get3A_536 = arith.constant 1 : i32
        %get3A_537 = arith.index_cast %get3A_536 : i32 to index
        %get3A_538 = arith.index_cast %scan3A_534 : i32 to index
        %get3A_539 = arith.constant 0 : index
        %get3A_540 = tpu.vector_load %arg6[%get3A_537, %get3A_538, %get3A_539] {strides = array<i32>} : memref<2x256x64xf32, #tpu.memory_space<vmem>>, vector<16xf32>,
        %get3A_541 = arith.constant 1 : i32
        %get3A_542 = arith.index_cast %get3A_541 : i32 to index
        %get3A_543 = arith.index_cast %scan3A_534 : i32 to index
        %get3A_544 = arith.constant 16 : index
        %get3A_545 = tpu.vector_load %arg6[%get3A_542, %get3A_543, %get3A_544] {strides = array<i32>} : memref<2x256x64xf32, #tpu.memory_space<vmem>>, vector<16xf32>,
        %get3A_546 = arith.constant 1 : i32
        %get3A_547 = arith.index_cast %get3A_546 : i32 to index
        %get3A_548 = arith.index_cast %scan3A_534 : i32 to index
        %get3A_549 = arith.constant 32 : index
        %get3A_550 = tpu.vector_load %arg6[%get3A_547, %get3A_548, %get3A_549] {strides = array<i32>} : memref<2x256x64xf32, #tpu.memory_space<vmem>>, vector<16xf32>,
        %get3A_551 = arith.constant 1 : i32
        %get3A_552 = arith.index_cast %get3A_551 : i32 to index
        %get3A_553 = arith.index_cast %scan3A_534 : i32 to index
        %get3A_554 = arith.constant 48 : index
        %get3A_555 = tpu.vector_load %arg6[%get3A_552, %get3A_553, %get3A_554] {strides = array<i32>} : memref<2x256x64xf32, #tpu.memory_space<vmem>>, vector<16xf32>,
        %add3A_556 = arith.constant 0 : i32
        %add3A_557 = vector.broadcast %add3A_556 : i32 to vector<16xi32>
        %add3A_558 = arith.addi %add3A_557, %iota3A : vector<16xi32>
        %scatter3A_559 = arith.constant 1 : i32
        %scatter3A_560 = arith.constant 0 : i32
        %scatter3A_561 = arith.constant 0 : i32
        %scatter3A_562 = tpu.memref_slice %arg7[%scatter3A_559, %scatter3A_560, %scatter3A_561] : memref<2x64x257xf32, #tpu.memory_space<vmem>> -> memref<1x64x257xf32, #tpu.memory_space<vmem>>
        %scatter3A_563 = tpu.memref_squeeze %scatter3A_562 : memref<1x64x257xf32, #tpu.memory_space<vmem>> -> memref<64x257xf32, #tpu.memory_space<vmem>>
        tpu.vector_store_idx %scatter3A_563[%add3A_558, %broadcast_in_dim3A_535], %get3A_540 : memref<64x257xf32, #tpu.memory_space<vmem>>[vector<16xi32>, vector<16xi32>], vector<16xf32>,
        %add3A_564 = arith.constant 16 : i32
        %add3A_565 = vector.broadcast %add3A_564 : i32 to vector<16xi32>
        %add3A_566 = arith.addi %add3A_565, %iota3A : vector<16xi32>
        %scatter3A_567 = arith.constant 1 : i32
        %scatter3A_568 = arith.constant 0 : i32
        %scatter3A_569 = arith.constant 0 : i32
        %scatter3A_570 = tpu.memref_slice %arg7[%scatter3A_567, %scatter3A_568, %scatter3A_569] : memref<2x64x257xf32, #tpu.memory_space<vmem>> -> memref<1x64x257xf32, #tpu.memory_space<vmem>>
        %scatter3A_571 = tpu.memref_squeeze %scatter3A_570 : memref<1x64x257xf32, #tpu.memory_space<vmem>> -> memref<64x257xf32, #tpu.memory_space<vmem>>
        tpu.vector_store_idx %scatter3A_571[%add3A_566, %broadcast_in_dim3A_535], %get3A_545 : memref<64x257xf32, #tpu.memory_space<vmem>>[vector<16xi32>, vector<16xi32>], vector<16xf32>,
        %add3A_572 = arith.constant 32 : i32
        %add3A_573 = vector.broadcast %add3A_572 : i32 to vector<16xi32>
        %add3A_574 = arith.addi %add3A_573, %iota3A : vector<16xi32>
        %scatter3A_575 = arith.constant 1 : i32
        %scatter3A_576 = arith.constant 0 : i32
        %scatter3A_577 = arith.constant 0 : i32
        %scatter3A_578 = tpu.memref_slice %arg7[%scatter3A_575, %scatter3A_576, %scatter3A_577] : memref<2x64x257xf32, #tpu.memory_space<vmem>> -> memref<1x64x257xf32, #tpu.memory_space<vmem>>
        %scatter3A_579 = tpu.memref_squeeze %scatter3A_578 : memref<1x64x257xf32, #tpu.memory_space<vmem>> -> memref<64x257xf32, #tpu.memory_space<vmem>>
        tpu.vector_store_idx %scatter3A_579[%add3A_574, %broadcast_in_dim3A_535], %get3A_550 : memref<64x257xf32, #tpu.memory_space<vmem>>[vector<16xi32>, vector<16xi32>], vector<16xf32>,
        %add3A_580 = arith.constant 48 : i32
        %add3A_581 = vector.broadcast %add3A_580 : i32 to vector<16xi32>
        %add3A_582 = arith.addi %add3A_581, %iota3A : vector<16xi32>
        %scatter3A_583 = arith.constant 1 : i32
        %scatter3A_584 = arith.constant 0 : i32
        %scatter3A_585 = arith.constant 0 : i32
        %scatter3A_586 = tpu.memref_slice %arg7[%scatter3A_583, %scatter3A_584, %scatter3A_585] : memref<2x64x257xf32, #tpu.memory_space<vmem>> -> memref<1x64x257xf32, #tpu.memory_space<vmem>>
        %scatter3A_587 = tpu.memref_squeeze %scatter3A_586 : memref<1x64x257xf32, #tpu.memory_space<vmem>> -> memref<64x257xf32, #tpu.memory_space<vmem>>
        tpu.vector_store_idx %scatter3A_587[%add3A_582, %broadcast_in_dim3A_535], %get3A_555 : memref<64x257xf32, #tpu.memory_space<vmem>>[vector<16xi32>, vector<16xi32>], vector<16xf32>,
        %scan3A_588 = arith.constant 7 : i32
        %scan3A_589 = arith.addi %scan3A_207, %scan3A_588 : i32
        %broadcast_in_dim3A_590 = vector.broadcast %scan3A_589 : i32 to vector<16xi32>
        %get3A_591 = arith.constant 1 : i32
        %get3A_592 = arith.index_cast %get3A_591 : i32 to index
        %get3A_593 = arith.index_cast %scan3A_589 : i32 to index
        %get3A_594 = arith.constant 0 : index
        %get3A_595 = tpu.vector_load %arg6[%get3A_592, %get3A_593, %get3A_594] {strides = array<i32>} : memref<2x256x64xf32, #tpu.memory_space<vmem>>, vector<16xf32>,
        %get3A_596 = arith.constant 1 : i32
        %get3A_597 = arith.index_cast %get3A_596 : i32 to index
        %get3A_598 = arith.index_cast %scan3A_589 : i32 to index
        %get3A_599 = arith.constant 16 : index
        %get3A_600 = tpu.vector_load %arg6[%get3A_597, %get3A_598, %get3A_599] {strides = array<i32>} : memref<2x256x64xf32, #tpu.memory_space<vmem>>, vector<16xf32>,
        %get3A_601 = arith.constant 1 : i32
        %get3A_602 = arith.index_cast %get3A_601 : i32 to index
        %get3A_603 = arith.index_cast %scan3A_589 : i32 to index
        %get3A_604 = arith.constant 32 : index
        %get3A_605 = tpu.vector_load %arg6[%get3A_602, %get3A_603, %get3A_604] {strides = array<i32>} : memref<2x256x64xf32, #tpu.memory_space<vmem>>, vector<16xf32>,
        %get3A_606 = arith.constant 1 : i32
        %get3A_607 = arith.index_cast %get3A_606 : i32 to index
        %get3A_608 = arith.index_cast %scan3A_589 : i32 to index
        %get3A_609 = arith.constant 48 : index
        %get3A_610 = tpu.vector_load %arg6[%get3A_607, %get3A_608, %get3A_609] {strides = array<i32>} : memref<2x256x64xf32, #tpu.memory_space<vmem>>, vector<16xf32>,
        %add3A_611 = arith.constant 0 : i32
        %add3A_612 = vector.broadcast %add3A_611 : i32 to vector<16xi32>
        %add3A_613 = arith.addi %add3A_612, %iota3A : vector<16xi32>
        %scatter3A_614 = arith.constant 1 : i32
        %scatter3A_615 = arith.constant 0 : i32
        %scatter3A_616 = arith.constant 0 : i32
        %scatter3A_617 = tpu.memref_slice %arg7[%scatter3A_614, %scatter3A_615, %scatter3A_616] : memref<2x64x257xf32, #tpu.memory_space<vmem>> -> memref<1x64x257xf32, #tpu.memory_space<vmem>>
        %scatter3A_618 = tpu.memref_squeeze %scatter3A_617 : memref<1x64x257xf32, #tpu.memory_space<vmem>> -> memref<64x257xf32, #tpu.memory_space<vmem>>
        tpu.vector_store_idx %scatter3A_618[%add3A_613, %broadcast_in_dim3A_590], %get3A_595 : memref<64x257xf32, #tpu.memory_space<vmem>>[vector<16xi32>, vector<16xi32>], vector<16xf32>,
        %add3A_619 = arith.constant 16 : i32
        %add3A_620 = vector.broadcast %add3A_619 : i32 to vector<16xi32>
        %add3A_621 = arith.addi %add3A_620, %iota3A : vector<16xi32>
        %scatter3A_622 = arith.constant 1 : i32
        %scatter3A_623 = arith.constant 0 : i32
        %scatter3A_624 = arith.constant 0 : i32
        %scatter3A_625 = tpu.memref_slice %arg7[%scatter3A_622, %scatter3A_623, %scatter3A_624] : memref<2x64x257xf32, #tpu.memory_space<vmem>> -> memref<1x64x257xf32, #tpu.memory_space<vmem>>
        %scatter3A_626 = tpu.memref_squeeze %scatter3A_625 : memref<1x64x257xf32, #tpu.memory_space<vmem>> -> memref<64x257xf32, #tpu.memory_space<vmem>>
        tpu.vector_store_idx %scatter3A_626[%add3A_621, %broadcast_in_dim3A_590], %get3A_600 : memref<64x257xf32, #tpu.memory_space<vmem>>[vector<16xi32>, vector<16xi32>], vector<16xf32>,
        %add3A_627 = arith.constant 32 : i32
        %add3A_628 = vector.broadcast %add3A_627 : i32 to vector<16xi32>
        %add3A_629 = arith.addi %add3A_628, %iota3A : vector<16xi32>
        %scatter3A_630 = arith.constant 1 : i32
        %scatter3A_631 = arith.constant 0 : i32
        %scatter3A_632 = arith.constant 0 : i32
        %scatter3A_633 = tpu.memref_slice %arg7[%scatter3A_630, %scatter3A_631, %scatter3A_632] : memref<2x64x257xf32, #tpu.memory_space<vmem>> -> memref<1x64x257xf32, #tpu.memory_space<vmem>>
        %scatter3A_634 = tpu.memref_squeeze %scatter3A_633 : memref<1x64x257xf32, #tpu.memory_space<vmem>> -> memref<64x257xf32, #tpu.memory_space<vmem>>
        tpu.vector_store_idx %scatter3A_634[%add3A_629, %broadcast_in_dim3A_590], %get3A_605 : memref<64x257xf32, #tpu.memory_space<vmem>>[vector<16xi32>, vector<16xi32>], vector<16xf32>,
        %add3A_635 = arith.constant 48 : i32
        %add3A_636 = vector.broadcast %add3A_635 : i32 to vector<16xi32>
        %add3A_637 = arith.addi %add3A_636, %iota3A : vector<16xi32>
        %scatter3A_638 = arith.constant 1 : i32
        %scatter3A_639 = arith.constant 0 : i32
        %scatter3A_640 = arith.constant 0 : i32
        %scatter3A_641 = tpu.memref_slice %arg7[%scatter3A_638, %scatter3A_639, %scatter3A_640] : memref<2x64x257xf32, #tpu.memory_space<vmem>> -> memref<1x64x257xf32, #tpu.memory_space<vmem>>
        %scatter3A_642 = tpu.memref_squeeze %scatter3A_641 : memref<1x64x257xf32, #tpu.memory_space<vmem>> -> memref<64x257xf32, #tpu.memory_space<vmem>>
        tpu.vector_store_idx %scatter3A_642[%add3A_637, %broadcast_in_dim3A_590], %get3A_610 : memref<64x257xf32, #tpu.memory_space<vmem>>[vector<16xi32>, vector<16xi32>], vector<16xf32>,
      }
      %scan3A_182 = arith.constant 256 : i32
      %dma_start3A_183 = arith.constant 1 : i32
      %dma_start3A_184 = arith.constant 0 : i32
      %dma_start3A_185 = arith.constant 0 : i32
      %dma_start3A_186 = tpu.memref_slice %arg7[%dma_start3A_183, %dma_start3A_184, %dma_start3A_185] : memref<2x64x257xf32, #tpu.memory_space<vmem>> -> memref<1x64x256xf32, #tpu.memory_space<vmem>>
      %dma_start3A_187 = tpu.memref_squeeze %dma_start3A_186 : memref<1x64x256xf32, #tpu.memory_space<vmem>> -> memref<64x256xf32, #tpu.memory_space<vmem>>
      %dma_start3A_188 = arith.constant 0 : i32
      %dma_start3A_189 = arith.constant 0 : i32
      %dma_start3A_190 = tpu.memref_slice %arg4[%add3A_149, %dma_start3A_188, %add3A, %dma_start3A_189] : memref<200x64x32x256xf32, #tpu.memory_space<hbm>> -> memref<1x64x1x256xf32, #tpu.memory_space<hbm>>
      %dma_start3A_191 = tpu.memref_squeeze %dma_start3A_190 : memref<1x64x1x256xf32, #tpu.memory_space<hbm>> -> memref<64x256xf32, #tpu.memory_space<hbm>>
      %dma_start3A_192 = arith.constant 0 : i32
      %dma_start3A_193 = arith.constant 0 : i32
      %dma_start3A_194 = tpu.memref_slice %arg4[%add3A_149, %dma_start3A_192, %add3A, %dma_start3A_193] : memref<200x64x32x256xf32, #tpu.memory_space<hbm>> -> memref<1x64x1x256xf32, #tpu.memory_space<hbm>>
      %dma_start3A_195 = tpu.memref_squeeze %dma_start3A_194 : memref<1x64x1x256xf32, #tpu.memory_space<hbm>> -> memref<64x256xf32, #tpu.memory_space<hbm>>
      %dma_start3A_196 = arith.constant 0 : i32
      %dma_start3A_197 = arith.constant 0 : i32
      %dma_start3A_198 = tpu.memref_slice %arg7[%dma_start3A_183, %dma_start3A_196, %dma_start3A_197] : memref<2x64x257xf32, #tpu.memory_space<vmem>> -> memref<1x64x256xf32, #tpu.memory_space<vmem>>
      %dma_start3A_199 = tpu.memref_squeeze %dma_start3A_198 : memref<1x64x256xf32, #tpu.memory_space<vmem>> -> memref<64x256xf32, #tpu.memory_space<vmem>>
      tpu.enqueue_dma source(%dma_start3A_199 : memref<64x256xf32, #tpu.memory_space<vmem>>) target(%dma_start3A_195 : memref<64x256xf32, #tpu.memory_space<hbm>>) target_semaphore(%arg11 : memref<!tpu.dma_semaphore, #tpu.memory_space<semaphore_mem>>)
      %add3A_200 = arith.constant 2 : i32
      %add3A_201 = arith.addi %add3A_149, %add3A_200 : i32
      %lt3A_202 = arith.constant 200 : i32
      %lt3A_203 = arith.cmpi slt, %add3A_201, %lt3A_202 : i32
      %convert_element_type3A_204 = arith.extui %lt3A_203 : i1 to i32
      %cond3A_205 = arith.constant 0 : i32
      %cond3A_206 = arith.cmpi ne, %convert_element_type3A_204, %cond3A_205 : i32
      scf.if %cond3A_206 {
        %add3A_207 = arith.constant 2 : i32
        %add3A_208 = arith.addi %add3A_149, %add3A_207 : i32
        %dma_start3A_209 = arith.constant 1 : i32
        %dma_start3A_210 = arith.constant 0 : i32
        %dma_start3A_211 = arith.constant 0 : i32
        %dma_start3A_212 = tpu.memref_slice %arg6[%dma_start3A_209, %dma_start3A_210, %dma_start3A_211] : memref<2x256x64xf32, #tpu.memory_space<vmem>> -> memref<1x128x64xf32, #tpu.memory_space<vmem>>
        %dma_start3A_213 = tpu.memref_squeeze %dma_start3A_212 : memref<1x128x64xf32, #tpu.memory_space<vmem>> -> memref<128x64xf32, #tpu.memory_space<vmem>>
        %dma_start3A_214 = arith.constant 0 : i32
        %dma_start3A_215 = tpu.memref_slice %arg5[%add3A_208, %dma_start3A_214] : memref<200x256xi32, #tpu.memory_space<vmem>> -> memref<1x128xi32, #tpu.memory_space<vmem>>
        %dma_start3A_216 = tpu.memref_squeeze %dma_start3A_215 : memref<1x128xi32, #tpu.memory_space<vmem>> -> memref<128xi32, #tpu.memory_space<vmem>>
        %dma_start3A_217 = arith.constant 0 : i32
        %dma_start3A_218 = arith.constant 0 : i32
        %dma_start3A_219 = tpu.memref_slice %arg3[%dma_start3A_217, %dma_start3A_218] : memref<1000000x64xf32, #tpu.memory_space<hbm>> -> memref<1000000x64xf32, #tpu.memory_space<hbm>>
        tpu.enqueue_indirect_dma source(%dma_start3A_219 : memref<1000000x64xf32, #tpu.memory_space<hbm>>) target(%dma_start3A_213 : memref<128x64xf32, #tpu.memory_space<vmem>>) offsets(%dma_start3A_216 : memref<128xi32, #tpu.memory_space<vmem>>) semaphore(%arg9 : memref<!tpu.dma_semaphore, #tpu.memory_space<semaphore_mem>>)
        %dma_start3A_220 = arith.constant 1 : i32
        %dma_start3A_221 = arith.constant 128 : i32
        %dma_start3A_222 = arith.constant 0 : i32
        %dma_start3A_223 = tpu.memref_slice %arg6[%dma_start3A_220, %dma_start3A_221, %dma_start3A_222] : memref<2x256x64xf32, #tpu.memory_space<vmem>> -> memref<1x128x64xf32, #tpu.memory_space<vmem>>
        %dma_start3A_224 = tpu.memref_squeeze %dma_start3A_223 : memref<1x128x64xf32, #tpu.memory_space<vmem>> -> memref<128x64xf32, #tpu.memory_space<vmem>>
        %dma_start3A_225 = arith.constant 128 : i32
        %dma_start3A_226 = tpu.memref_slice %arg5[%add3A_208, %dma_start3A_225] : memref<200x256xi32, #tpu.memory_space<vmem>> -> memref<1x128xi32, #tpu.memory_space<vmem>>
        %dma_start3A_227 = tpu.memref_squeeze %dma_start3A_226 : memref<1x128xi32, #tpu.memory_space<vmem>> -> memref<128xi32, #tpu.memory_space<vmem>>
        %dma_start3A_228 = arith.constant 0 : i32
        %dma_start3A_229 = arith.constant 0 : i32
        %dma_start3A_230 = tpu.memref_slice %arg3[%dma_start3A_228, %dma_start3A_229] : memref<1000000x64xf32, #tpu.memory_space<hbm>> -> memref<1000000x64xf32, #tpu.memory_space<hbm>>
        tpu.enqueue_indirect_dma source(%dma_start3A_230 : memref<1000000x64xf32, #tpu.memory_space<hbm>>) target(%dma_start3A_224 : memref<128x64xf32, #tpu.memory_space<vmem>>) offsets(%dma_start3A_227 : memref<128xi32, #tpu.memory_space<vmem>>) semaphore(%arg9 : memref<!tpu.dma_semaphore, #tpu.memory_space<semaphore_mem>>)
      } else {
      }
    }
    %scan3A_52 = arith.constant 100 : i32
    %dma_wait3A = arith.constant 0 : i32
    %dma_wait3A_53 = arith.constant 198 : i32
    %dma_wait3A_54 = arith.constant 0 : i32
    %dma_wait3A_55 = arith.constant 0 : i32
    %dma_wait3A_56 = tpu.memref_slice %arg7[%dma_wait3A, %dma_wait3A_54, %dma_wait3A_55] : memref<2x64x257xf32, #tpu.memory_space<vmem>> -> memref<1x64x256xf32, #tpu.memory_space<vmem>>
    %dma_wait3A_57 = tpu.memref_squeeze %dma_wait3A_56 : memref<1x64x256xf32, #tpu.memory_space<vmem>> -> memref<64x256xf32, #tpu.memory_space<vmem>>
    %dma_wait3A_58 = arith.constant 0 : i32
    %dma_wait3A_59 = arith.constant 0 : i32
    %dma_wait3A_60 = tpu.memref_slice %arg4[%dma_wait3A_53, %dma_wait3A_58, %add3A, %dma_wait3A_59] : memref<200x64x32x256xf32, #tpu.memory_space<hbm>> -> memref<1x64x1x256xf32, #tpu.memory_space<hbm>>
    %dma_wait3A_61 = tpu.memref_squeeze %dma_wait3A_60 : memref<1x64x1x256xf32, #tpu.memory_space<hbm>> -> memref<64x256xf32, #tpu.memory_space<hbm>>
    %dma_wait3A_62 = arith.constant 0 : i32
    %dma_wait3A_63 = arith.constant 0 : i32
    %dma_wait3A_64 = tpu.memref_slice %arg4[%dma_wait3A_53, %dma_wait3A_62, %add3A, %dma_wait3A_63] : memref<200x64x32x256xf32, #tpu.memory_space<hbm>> -> memref<1x64x1x256xf32, #tpu.memory_space<hbm>>
    %dma_wait3A_65 = tpu.memref_squeeze %dma_wait3A_64 : memref<1x64x1x256xf32, #tpu.memory_space<hbm>> -> memref<64x256xf32, #tpu.memory_space<hbm>>
    %dma_wait3A_66 = arith.constant 0 : i32
    %dma_wait3A_67 = arith.constant 0 : i32
    %dma_wait3A_68 = tpu.memref_slice %arg7[%dma_wait3A, %dma_wait3A_66, %dma_wait3A_67] : memref<2x64x257xf32, #tpu.memory_space<vmem>> -> memref<1x64x256xf32, #tpu.memory_space<vmem>>
    %dma_wait3A_69 = tpu.memref_squeeze %dma_wait3A_68 : memref<1x64x256xf32, #tpu.memory_space<vmem>> -> memref<64x256xf32, #tpu.memory_space<vmem>>
    tpu.wait_dma2 semaphore(%arg10 : memref<!tpu.dma_semaphore, #tpu.memory_space<semaphore_mem>>) src(%dma_wait3A_69 : memref<64x256xf32, #tpu.memory_space<vmem>>) dst(%dma_wait3A_65 : memref<64x256xf32, #tpu.memory_space<hbm>>)
    %dma_wait3A_70 = arith.constant 1 : i32
    %dma_wait3A_71 = arith.constant 199 : i32
    %dma_wait3A_72 = arith.constant 0 : i32
    %dma_wait3A_73 = arith.constant 0 : i32
    %dma_wait3A_74 = tpu.memref_slice %arg7[%dma_wait3A_70, %dma_wait3A_72, %dma_wait3A_73] : memref<2x64x257xf32, #tpu.memory_space<vmem>> -> memref<1x64x256xf32, #tpu.memory_space<vmem>>
    %dma_wait3A_75 = tpu.memref_squeeze %dma_wait3A_74 : memref<1x64x256xf32, #tpu.memory_space<vmem>> -> memref<64x256xf32, #tpu.memory_space<vmem>>
    %dma_wait3A_76 = arith.constant 0 : i32
    %dma_wait3A_77 = arith.constant 0 : i32
    %dma_wait3A_78 = tpu.memref_slice %arg4[%dma_wait3A_71, %dma_wait3A_76, %add3A, %dma_wait3A_77] : memref<200x64x32x256xf32, #tpu.memory_space<hbm>> -> memref<1x64x1x256xf32, #tpu.memory_space<hbm>>
    %dma_wait3A_79 = tpu.memref_squeeze %dma_wait3A_78 : memref<1x64x1x256xf32, #tpu.memory_space<hbm>> -> memref<64x256xf32, #tpu.memory_space<hbm>>
    %dma_wait3A_80 = arith.constant 0 : i32
    %dma_wait3A_81 = arith.constant 0 : i32
    %dma_wait3A_82 = tpu.memref_slice %arg4[%dma_wait3A_71, %dma_wait3A_80, %add3A, %dma_wait3A_81] : memref<200x64x32x256xf32, #tpu.memory_space<hbm>> -> memref<1x64x1x256xf32, #tpu.memory_space<hbm>>
    %dma_wait3A_83 = tpu.memref_squeeze %dma_wait3A_82 : memref<1x64x1x256xf32, #tpu.memory_space<hbm>> -> memref<64x256xf32, #tpu.memory_space<hbm>>
    %dma_wait3A_84 = arith.constant 0 : i32
    %dma_wait3A_85 = arith.constant 0 : i32
    %dma_wait3A_86 = tpu.memref_slice %arg7[%dma_wait3A_70, %dma_wait3A_84, %dma_wait3A_85] : memref<2x64x257xf32, #tpu.memory_space<vmem>> -> memref<1x64x256xf32, #tpu.memory_space<vmem>>
    %dma_wait3A_87 = tpu.memref_squeeze %dma_wait3A_86 : memref<1x64x256xf32, #tpu.memory_space<vmem>> -> memref<64x256xf32, #tpu.memory_space<vmem>>
    tpu.wait_dma2 semaphore(%arg11 : memref<!tpu.dma_semaphore, #tpu.memory_space<semaphore_mem>>) src(%dma_wait3A_87 : memref<64x256xf32, #tpu.memory_space<vmem>>) dst(%dma_wait3A_83 : memref<64x256xf32, #tpu.memory_space<hbm>>)
    return
  }
}

</mosaic_0001>

<sc_bundles>
// kernel: kernel.3.cloned.1.call-start
scs
__scs_entry_jumppad:
0x0: {  	(pc) =	sbr.rel $0x88, $3  }
0x1: {  	(tag) =	ssettag $0x0;
	lr =	simm.s32 $0x1  }
0x2: {  	[smem:$0x3F9F] =	sst lr;
	_ =	strace $0xD0000000  }
0x3: {  	_ = 	snop  }
0x4: {  	_ = 	snop  }
0x5: {  	_ = 	snop  }
0x6: {  	_ = 	snop  }
0x7: {  	_ = 	snop  }
__scs_overlays_trampoline_lowered:
0x8: {  	[smem:$0x3FAE] =	sst s0  }
0x9: {  	[smem:$0x3FAF] =	sst s1  }
0xa: {  	[smem:$0x3FB0] =	sst s2  }
0xb: {  	[smem:$0x3FB1] =	sst s3  }
0xc: {  	[smem:$0x3FB2] =	sst s4  }
0xd: {  	[smem:$0x3FB3] =	sst s5  }
0xe: {  	[smem:$0x3FB4] =	sst s6  }
0xf: {  	[smem:$0x3FB5] =	sst s7  }
0x10: {  	[smem:$0x3FB6] =	sst s8  }
0x11: {  	[smem:$0x3FB7] =	sst s9;
	s0 =	simm.s32 @!p0 $0x0  }
0x12: {  	s1 =	sld [smem:$0x3F9D];
	s0 =	simm.s32 @p0 $0x1  }
0x13: {  	[smem:$0x3FB8] =	sst s0;
	s0 =	simm.s32 @!p1 $0x0  }
0x14: {  	s2 =	sld [smem:$0x3F9C];
	s0 =	simm.s32 @p1 $0x1  }
0x15: {  	[smem:$0x3FB9] =	sst s0;
	s0 =	simm.s32 @!p2 $0x0  }
0x16: {  	s3 =	sld [smem:$0x3FDB];
	s0 =	simm.s32 @p2 $0x1  }
0x17: {  	s4 =	simm.s32 $0x1BF5;
	[smem:$0x3FBB] =	sst s0  }
0x18: {  	s0 =	sld [smem:$0x3F9E];
	_ =	swait.ge [sflag:s4], $0x0  }
0x19: {  	s7 =	sld [smem:$0x3F9F]  }
0x1a: {  	s8 =	sadd.s32 $0xFFFFE003, lr  }
0x1b: {  	s9 =	sadd.s32 $0xFFFFFEF7, lr;
	s5 =	simm.s32 $0xFFFFFFFF;
	p2 =	slt.u32 s8, $0xFFFFF086  }
0x1c: {  	p1 =	slt.u32 s9, $0xF7A;
	s5 =	simm.s32 @!p2 $0x0  }
0x1d: {  	s5 =	simm.s32 @p1 $0x1;
	p0 =	seq.s32 s7, s2  }
0x1e: {  	s7 =	smul.u32 @!p0 $0xF7A, s2;
	p2 =	seq.s32 @!p0 s5, $0x0  }
0x1f: {  	s9 =	smul.u32 $0xF7A, s1;
	s8 =	simm.s32 @!p0 $0x1BF5;
	p2 =	por !p2, p0  }
0x20: {  	[sflag:s8] =	ssyncset.s32 @!p0 $0xFFFFF086;
	s6 =	sadd.s32 @!p0 s3, s7;
	s7 =	simm.s32 @!p0 $0x108  }
0x21: {  	s3 =	sadd.s32 s3, s9;
	s6 =	sadd.s32 @!p0 $0x88, s6;
	s7 =	simm.s32 @p2 $0x1082  }
0x22: {  	[simem:s7], [sflag:s8] =	dma.local @!p0 [hbm:s6], $0xF7A  }
0x23: {  	s9 =	sor.u32 $0xD0000000, s2;
	s6 =	simm.s32 $0x108;
	_ =	swait.ge @!p0 [sflag:s8], $0x0  }
0x24: {  	s3 =	sadd.s32 $0x88, s3;
	s6 =	simm.s32 @!p1 $0x1082;
	[sflag:s4] =	ssyncset.s32 $0xFFFFF086  }
0x25: {  	[simem:s6], [sflag:s4] =	dma.local [hbm:s3], $0xF7A  }
0x26: {  	[smem:$0x3F9F] =	sst s1;
	(tag) =	ssettag s2;
	_ =	strace s9  }
0x27: {  	s1 =	sld [smem:$0x3FAF]  }
0x28: {  	s2 =	sld [smem:$0x3FB0]  }
0x29: {  	s4 =	sld [smem:$0x3FB2]  }
0x2a: {  	p0 =	seq.s32 s5, $0x0;
	s5 =	sld [smem:$0x3FB3]  }
0x2b: {  	s6 =	sld [smem:$0x3FB4]  }
0x2c: {  	s7 =	sld [smem:$0x3FB5]  }
0x2d: {  	s3 =	simm.s32 $0x108;
	s8 =	sld [smem:$0x3FB6]  }
0x2e: {  	s3 =	simm.s32 @!p0 $0x1082;
	s9 =	sld [smem:$0x3FB7]  }
0x2f: {  	lr =	sadd.s32 s0, s3;
	s0 =	sld [smem:$0x3FAE]  }
0x30: {  	s3 =	sld [smem:$0x3FB1]  }
0x31: {  	[smem:$0x3FBA] =	sst s10  }
0x32: {  	s10 =	sld [smem:$0x3FB8];
	_ =	sdelay $0x3  }
0x33: {  	p0 =	seq.s32 s10, $0x1;
	s10 =	sld [smem:$0x3FBA];
	_ =	sdelay $0x3  }
0x34: {  	[smem:$0x3FBA] =	sst s10  }
0x35: {  	s10 =	sld [smem:$0x3FB9];
	_ =	sdelay $0x3  }
0x36: {  	p1 =	seq.s32 s10, $0x1;
	s10 =	sld [smem:$0x3FBA];
	_ =	sdelay $0x3  }
0x37: {  	[smem:$0x3FBA] =	sst s10  }
0x38: {  	s10 =	sld [smem:$0x3FBB]  }
0x39: {  	_ = 	snop;
	(pc) =	sbr.ind lr, $3  }
0x3a: {  	_ = 	snop  }
0x3b: {  	_ = 	snop  }
0x3c: {  	p2 =	seq.s32 s10, $0x1;
	s10 =	sld [smem:$0x3FBA]  }
0x3d: {  	_ =	shalt  }
0x3e: {  	_ =	shalt  }
0x3f: {  	_ =	shalt  }
0x40: {  	_ =	shalt  }
0x41: {  	_ =	shalt  }
0x42: {  	_ =	shalt  }
0x43: {  	_ =	shalt  }
0x44: {  	_ =	shalt  }
0x45: {  	_ =	shalt  }
0x46: {  	_ =	shalt  }
0x47: {  	_ =	shalt  }
0x48: {  	_ =	shalt  }
0x49: {  	_ =	shalt  }
0x4a: {  	_ =	shalt  }
0x4b: {  	_ =	shalt  }
0x4c: {  	_ =	shalt  }
0x4d: {  	_ =	shalt  }
0x4e: {  	_ =	shalt  }
0x4f: {  	_ =	shalt  }
0x50: {  	_ =	shalt  }
0x51: {  	_ =	shalt  }
0x52: {  	_ =	shalt  }
0x53: {  	_ =	shalt  }
0x54: {  	_ =	shalt  }
0x55: {  	_ =	shalt  }
0x56: {  	_ =	shalt  }
0x57: {  	_ =	shalt  }
0x58: {  	_ =	shalt  }
0x59: {  	_ =	shalt  }
0x5a: {  	_ =	shalt  }
0x5b: {  	_ =	shalt  }
0x5c: {  	_ =	shalt  }
0x5d: {  	_ =	shalt  }
0x5e: {  	_ =	shalt  }
0x5f: {  	_ =	shalt  }
0x60: {  	_ =	shalt  }
0x61: {  	_ =	shalt  }
0x62: {  	_ =	shalt  }
0x63: {  	_ =	shalt  }
0x64: {  	_ =	shalt  }
0x65: {  	_ =	shalt  }
0x66: {  	_ =	shalt  }
0x67: {  	_ =	shalt  }
0x68: {  	_ =	shalt  }
0x69: {  	_ =	shalt  }
0x6a: {  	_ =	shalt  }
0x6b: {  	_ =	shalt  }
0x6c: {  	_ =	shalt  }
0x6d: {  	_ =	shalt  }
0x6e: {  	_ =	shalt  }
0x6f: {  	_ =	shalt  }
0x70: {  	_ =	shalt  }
0x71: {  	_ =	shalt  }
0x72: {  	_ =	shalt  }
0x73: {  	_ =	shalt  }
0x74: {  	_ =	shalt  }
0x75: {  	_ =	shalt  }
0x76: {  	_ =	shalt  }
0x77: {  	_ =	shalt  }
0x78: {  	_ =	shalt  }
0x79: {  	_ =	shalt  }
0x7a: {  	_ =	shalt  }
0x7b: {  	_ =	shalt  }
0x7c: {  	_ =	shalt  }
0x7d: {  	_ =	shalt  }
0x7e: {  	_ =	shalt  }
0x7f: {  	_ =	shalt  }
0x80: {  	_ =	shalt  }
0x81: {  	_ =	shalt  }
0x82: {  	_ =	shalt  }
0x83: {  	_ =	shalt  }
0x84: {  	_ =	shalt  }
0x85: {  	_ =	shalt  }
0x86: {  	_ =	shalt  }
0x87: {  	_ =	shalt  }
.Lfunc_end0:
.L_simem_size_0:
called_computation_lowered:
.L_overlay_start_0:
0x88: {  	s2 =	sld [smem:$0x3FD9]  }
0x89: {  	s3 =	sld [smem:$0x3FFE];
	_ =	sdelay $0x1  }
0x8a: {  	s1 =	srdreg.scid  }
0x8b: {  	s0 =	sand.u32 $0x1, s1  }
0x8c: {  	s17 =	sshll.u32 s0, $0xA;
	s2 =	sadd.s32 s3, s2  }
0x8d: {  	s2 =	sadd.s32 s2, s17  }
0x8e: {  	[smem:$0x3FC6] =	sst s2  }
0x8f: {  	_ = 	snop  }
0x90: {  	s2 =	sld [smem:$0x3FC9]  }
0x91: {  	s18 =	sld [smem:$0x3FD0];
	(tm) =	ssettm $0x1  }
0x92: {  	s4 =	sld [smem:$0x3FFB];
	_ =	sdelay $0x3  }
0x93: {  	_ =	strace s4  }
0x94: {  	s4 =	sld [smem:$0x3FFC];
	_ =	sdelay $0x3  }
0x95: {  	_ =	strace s4  }
0x96: {  	s4 =	sld [smem:$0x3FFD];
	_ =	sdelay $0x3  }
0x97: {  	_ =	strace s4  }
0x98: {  	_ =	strace $0x8FFFFFFF  }
0x99: {  	s19 =	sld [smem:$0x3FDB];
	_ =	sdelay $0x1  }
0x9a: {  	s5 =	simm.s32 $_scs_section_size  }
0x9b: {  	s6 =	simm.s32 $_size__tile_overlayer_lowered;
	s7 =	simm.s32 $_tile_overlayer_lowered  }
0x9c: {  	s22 =	simm.s32 $0x1BFF;
	s21 =	sshll.u32 s7, $0x1;
	s4 =	sadd.s32 s5, s19  }
0x9d: {  	s8 =	simm.s32 $0x0;
	s20 =	sshll.u32 s6, $0x1;
	s6 =	sadd.s32 s21, s4  }
0x9e: {  	[timem:s8], [sflag:s22] =	dma.local [hbm:s6], s20  }
0x9f: {  	_ =	swait.ge [sflag:s22], s20  }
0xa0: {  	s5 =	ssub.s32 $0x0, s20;
	[sflag:s22] =	ssyncset.done $0x0  }
0xa1: {  	[sflag:s22] =	ssyncadd.s32 s5;
	_ =	sdelay $0x1  }
0xa2: {  	s23 =	simm.s32 $0x1B8B  }
0xa3: {  	_ =	swait.ge [sflag:s23], $0x1  }
0xa4: {  	[sflag:s23] =	ssyncset.done $0x0  }
0xa5: {  	s25 =	simm.s32 $0x1B8E;
	s24 =	sld [smem:$0x3FFE];
	[sflag:s23] =	ssyncadd.s32 $0xFFFFFFFF  }
0xa6: {  	s26 =	simm.s32 $execute0_lowered;
	[smem:$0x3FD2] =	sst s25  }
0xa7: {  	s6 =	sshll.u32 s26, $0x1;
	_ =	strace $0x80000046;
	[dreg:$0x1] =	wrdreg $0xFFFFFFFF  }
0xa8: {  	s28 =	simm.s32 $_size_execute0_lowered;
	s4 =	sadd.s32 s4, s6;
	[dreg:$0x0] =	wrdreg $0x0  }
0xa9: {  	s6 =	sshll.u32 s28, $0x1;
	[dreg:$0x2] =	wrdreg s4  }
0xaa: {  	[dreg:$0x3] =	wrdreg s6  }
0xab: {  	[dreg:$0x4] =	wrdreg $0xC0  }
0xac: {  	_ =	task [dreg:s8], $0x5FFFF  }
0xad: {  	[dreg:$0x1] =	wrdreg $0xFFFFFFFF  }
0xae: {  	[dreg:$0x0] =	wrdreg $0x60  }
0xaf: {  	[dreg:$0x2] =	wrdreg s2  }
0xb0: {  	[dreg:$0x3] =	wrdreg s24  }
0xb1: {  	[dreg:$0x4] =	wrdreg s18  }
0xb2: {  	[dreg:$0x5] =	wrdreg $0x9  }
0xb3: {  	_ =	task.clear_ibuf [dreg:s8], $0x6FFFF;
	_ =	strace $0x90000046  }
0xb4: {  	s29 =	simm.s32 $0x9;
	_ =	strace $0x80000048  }
0xb5: {  	_ =	swait.ge [sflag:s29], $0x1  }
0xb6: {  	[sflag:s29] =	ssyncadd.s32 $0xFFFFFFFF  }
0xb7: {  	_ =	strace $0x90000048  }
0xb8: {  	_ =	sfence  }
0xb9: {  	s30 =	sld [smem:$0x0];
	_ =	sdelay $0x2  }
0xba: {  	s31 =	sshll.u32 s1, $0xD;
	s1 =	sshrl.u32 s1, $0x2  }
0xbb: {  	s3 =	sand.u32 $0x4000, s31;
	s1 =	sadd.s32 s1, s30  }
0xbc: {  	s0 =	sor.u32 s3, s0;
	s1 =	sshll.u32 s1, $0x11  }
0xbd: {  	s0 =	sor.u32 s1, s0  }
0xbe: {  	s0 =	sadd.s32 $0x8F2B, s0  }
0xbf: {  	[sflag:s0] =	ssyncadd.remote.s32 $0x1  }
0xc0: {  	_ =	sfence.sel $0xFFFF  }
0xc1: {  	[dreg:$0x0] =	wrdreg $0xFFFFFFFF;
	(pc) =	sbr.abs _section_cstart, $3  }
0xc2: {  	[dreg:$0x1] =	wrdreg $0xFFFFFFFF  }
0xc3: {  	_ =	task.clear_ibuf [dreg:s8], $0x2FFFF;
	_ =	strace $0x9FFFFFFF  }
0xc4: {  	(tm) =	ssettm $0x7FFFFFFF  }
0xc5: {  	_ =	shalt  }
tec
execute0_lowered:
.L_overlay_start_1:
0x0: {  	(tag) =	ssettag $0x1  }
0x1: {  	s0 =	rddreg [dreg:$0x0];
	v0 =	vlaneseq.u32  }
0x2: {  	s2 =	rddreg [dreg:$0x1];
	v0 =	vmul.u32 $0x108, v0  }
0x3: {  	s1 =	rddreg [dreg:$0x2];
	s3 =	srdreg.scid;
	v1 =	vimm.s32 $0x0;
	vm0 =	vcmask $0x300  }
0x4: {  	s5 =	stileid.u32;
	s9 =	simm.s32 $0x100;
	s10 =	simm.s32 $0x2000;
	v1 =	vsel vm0, $0x3, v1;
	v2 =	vadd.s32 $0x1080, v0  }
0x5: {  	s11 =	simm.s32 $0x5;
	s12 =	simm.s32 $0x80;
	s13 =	simm.s32 $0xC800;
	v3 =	vadd.s32 $0x2100, v0;
	v4 =	vadd.s32 $0x3180, v0;
	v5 =	vor.u32 $0x1, v0  }
0x6: {  	s14 =	simm.s32 $0xE800;
	s15 =	simm.s32 $0x10800;
	s16 =	simm.s32 $0x180;
	v6 =	vadd.s32 $0x1081, v0;
	v7 =	vadd.s32 $0x2101, v0;
	v8 =	vadd.s32 $0x3181, v0  }
0x7: {  	s17 =	simm.s32 $0x12800;
	s18 =	simm.s32 $0x1;
	s19 =	simm.s32 $0x14800;
	v9 =	vor.u32 $0x2, v0;
	v10 =	vadd.s32 $0x1082, v0;
	v11 =	vadd.s32 $0x2102, v0  }
0x8: {  	s20 =	simm.s32 $0x2;
	s21 =	simm.s32 $0x18A00;
	s22 =	simm.s32 $0x3;
	v12 =	vadd.s32 $0x3182, v0;
	v13 =	vor.u32 $0x3, v0;
	v14 =	vadd.s32 $0x1083, v0  }
0x9: {  	s23 =	simm.s32 $0x4;
	s24 =	simm.s32 $0x0;
	s4 =	sand.u32 $0x1, s3;
	v15 =	vadd.s32 $0x2103, v0;
	v16 =	vadd.s32 $0x3183, v0;
	v17 =	vor.u32 $0x4, v0  }
.Ltmp0:
0xa: {  	s3 =	simm.s32 $0x0;
	s5 =	sshll.u32 s5, $0x9;
	v18 =	vadd.s32 $0x1084, v0;
	v19 =	vadd.s32 $0x2104, v0;
	v20 =	vadd.s32 $0x3184, v0;
	(pc) =	sbr.rel .LBB2_1-.Ltmp0, $4  }
0xb: {  	s6 =	sshll.u32 s4, $0x8;
	[smem:$0x7FF] =	sst s3;
	s7 =	ssub.s32 $0x2, s4;
	v21 =	vor.u32 $0x5, v0;
	v22 =	vadd.s32 $0x1085, v0;
	v23 =	vadd.s32 $0x2105, v0  }
0xc: {  	s4 =	sor.u32 s6, s5;
	_ =	strace $0x80000047;
	s30 =	sshrl.u32 s7, $0x1;
	v24 =	vadd.s32 $0x3185, v0;
	v25 =	vor.u32 $0x6, v0;
	v26 =	vadd.s32 $0x1086, v0  }
0xd: {  	s5 =	sadd.s32 $0xF42800, s2;
	v27 =	vadd.s32 $0x2106, v0;
	v28 =	vadd.s32 $0x3186, v0;
	v29 =	vor.u32 $0x7, v0;
	s8 =	sshrl.u32 s4, $0x3;
	s31 =	ssub.s32 s7, s30  }
0xe: {  	v30 =	vadd.s32 $0x1087, v0;
	v31 =	vadd.s32 $0x2107, v0;
	v32 =	vadd.s32 $0x3187, v0;
	s7 =	sadd.s32 $0x10000, s1;
	s6 =	sadd.s32 s0, s8;
	s8 =	smax.u32 s31, $0x1  }
.LBB2_12:
0xf: {  	s24 =	sadd.s32 $0x1, s24  }
0x10: {  	_ =	swait.ge [sflag:s22], $0x4000;
	p0 =	sne.s32 s24, s8  }
.Ltmp1:
0x11: {  	[sflag:s22] =	ssyncset.done $0x0;
	(pc) =	sbr.rel @!p0 .LBB2_13-.Ltmp1, $4  }
0x12: {  	[sflag:s22] =	ssyncadd.s32 $0xFFFFC000  }
0x13: {  	_ =	swait.ge [sflag:s23], $0x4000  }
0x14: {  	[sflag:s23] =	ssyncset.done $0x0  }
0x15: {  	[sflag:s23] =	ssyncadd.s32 $0xFFFFC000  }
.LBB2_1:
0x16: {  	[tilespmem:s3], [sflag:$0x5] =	stream.strided.gather [hbm4b:s6+s9], $0xC800, s10, s9, $0x38;
	[tilespmem:$0x1CC00] =	vst v63  }
0x17: {  	_ =	swait.ge [sflag:s11], $0xC800  }
0x18: {  	[sflag:s11] =	ssyncset.done $0x0  }
0x19: {  	[sflag:s11] =	ssyncadd.s32 $0xFFFF3800  }
0x1a: {  	[tilespmem:s13], [sflag:$0x1] =	stream.indirect.gather [hbm4b:s5+s12], $0x40, s3, s12, $0xb8;
	[tilespmem:$0x1CC00] =	vst v63  }
0x1b: {  	_ = 	snop  }
0x1c: {  	[tilespmem:s14], [sflag:$0x1] =	stream.indirect.gather [hbm4b:s5+s12], $0x40, s12, s12, $0xb8;
	[tilespmem:$0x1CC00] =	vst v63  }
0x1d: {  	_ = 	snop  }
0x1e: {  	[tilespmem:s15], [sflag:$0x2] =	stream.indirect.gather [hbm4b:s5+s12], $0x40, s9, s12, $0xb8;
	[tilespmem:$0x1CC00] =	vst v63  }
0x1f: {  	s25 =	simm.s32 $0x0  }
0x20: {  	[tilespmem:s17], [sflag:$0x2] =	stream.indirect.gather [hbm4b:s5+s12], $0x40, s16, s12, $0xb8;
	[tilespmem:$0x1CC00] =	vst v63  }
.LBB2_2:
0x21: {  	_ =	swait.ge [sflag:s18], $0x2000  }
0x22: {  	[sflag:s18] =	ssyncset.done $0x0  }
0x23: {  	[sflag:s18] =	ssyncadd.s32 $0xFFFFE000  }
0x24: {  	s0 =	simm.s32 $0x0;
	_ =	swait.ge [sflag:s18], $0x2000  }
0x25: {  	p0 =	seq.s32 s25, $0x0;
	v33 =	vmov s0;
	[sflag:s18] =	ssyncset.done $0x0  }
0x26: {  	s0 =	simm.s32 @!p0 $0x3;
	v33 =	vshrl.u32 v33, $0x3;
	[sflag:s18] =	ssyncadd.s32 $0xFFFFE000  }
0x27: {  	v33 =	vshll.u32 v33, v1;
	_ =	swait.ge @!p0 [sflag:s0], $0x4000  }
0x28: {  	v33 =	vbroadcast v33, $0x0;
	[sflag:s0] =	ssyncset.done @!p0 $0x0  }
0x29: {  	s28 =	simm.s32 $0xC900;
	[sflag:s0] =	ssyncadd.s32 @!p0 $0xFFFFC000  }
0x2a: {  	v35 =	vadd.s32 v0, v33;
	v34 =	vld [tilespmem:s28+$0xFFFFFF00]  }
0x2b: {  	v37 =	vadd.s32 v2, v33;
	v36 =	vld [tilespmem:s28+$0xFFFFFF10]  }
0x2c: {  	v39 =	vadd.s32 v3, v33;
	v38 =	vld [tilespmem:s28+$0xFFFFFF20]  }
0x2d: {  	s31 =	simm.s32 $0x1;
	v33 =	vadd.s32 v4, v33;
	v40 =	vld [tilespmem:s28+$0xFFFFFF30]  }
0x2e: {  	v41 =	vmov s31  }
0x2f: {  	v47 =	vshrl.u32 v41, $0x3;
	[tilespmem:v35+s19+$0x0] =	vst.idx.msk $0xffff, v34  }
0x30: {  	v34 =	vshll.u32 v47, v1;
	[tilespmem:v37+s19+$0x0] =	vst.idx.msk $0xffff, v36  }
0x31: {  	v34 =	vbroadcast v34, $0x0;
	[tilespmem:v39+s19+$0x0] =	vst.idx.msk $0xffff, v38  }
0x32: {  	[tilespmem:v33+s19+$0x0] =	vst.idx.msk $0xffff, v40  }
0x33: {  	v48 =	vadd.s32 v5, v34;
	v33 =	vld [tilespmem:s28+$0xFFFFFF40]  }
0x34: {  	v49 =	vadd.s32 v6, v34;
	v36 =	vld [tilespmem:s28+$0xFFFFFF50]  }
0x35: {  	v50 =	vadd.s32 v7, v34;
	v38 =	vld [tilespmem:s28+$0xFFFFFF60]  }
0x36: {  	s2 =	simm.s32 $0x2;
	v34 =	vadd.s32 v8, v34;
	v40 =	vld [tilespmem:s28+$0xFFFFFF70]  }
0x37: {  	v51 =	vmov s2  }
0x38: {  	v52 =	vshrl.u32 v51, $0x3;
	[tilespmem:v48+s19+$0x0] =	vst.idx.msk $0xffff, v33  }
0x39: {  	v33 =	vshll.u32 v52, v1;
	[tilespmem:v49+s19+$0x0] =	vst.idx.msk $0xffff, v36  }
0x3a: {  	v33 =	vbroadcast v33, $0x0;
	[tilespmem:v50+s19+$0x0] =	vst.idx.msk $0xffff, v38  }
0x3b: {  	[tilespmem:v34+s19+$0x0] =	vst.idx.msk $0xffff, v40  }
0x3c: {  	v53 =	vadd.s32 v9, v33;
	v34 =	vld [tilespmem:s28+$0xFFFFFF80]  }
0x3d: {  	v54 =	vadd.s32 v10, v33;
	v36 =	vld [tilespmem:s28+$0xFFFFFF90]  }
0x3e: {  	v55 =	vadd.s32 v11, v33;
	v38 =	vld [tilespmem:s28+$0xFFFFFFA0]  }
0x3f: {  	s26 =	simm.s32 $0x3;
	v33 =	vadd.s32 v12, v33;
	v40 =	vld [tilespmem:s28+$0xFFFFFFB0]  }
0x40: {  	v56 =	vmov s26  }
0x41: {  	v57 =	vshrl.u32 v56, $0x3;
	[tilespmem:v53+s19+$0x0] =	vst.idx.msk $0xffff, v34  }
0x42: {  	v34 =	vshll.u32 v57, v1;
	[tilespmem:v54+s19+$0x0] =	vst.idx.msk $0xffff, v36  }
0x43: {  	v34 =	vbroadcast v34, $0x0;
	[tilespmem:v55+s19+$0x0] =	vst.idx.msk $0xffff, v38  }
0x44: {  	[tilespmem:v33+s19+$0x0] =	vst.idx.msk $0xffff, v40  }
0x45: {  	v58 =	vadd.s32 v13, v34;
	v33 =	vld [tilespmem:s28+$0xFFFFFFC0]  }
0x46: {  	v59 =	vadd.s32 v14, v34;
	v36 =	vld [tilespmem:s28+$0xFFFFFFD0]  }
0x47: {  	v60 =	vadd.s32 v15, v34;
	v38 =	vld [tilespmem:s28+$0xFFFFFFE0]  }
0x48: {  	s31 =	simm.s32 $0x4;
	v34 =	vadd.s32 v16, v34;
	v40 =	vld [tilespmem:s28+$0xFFFFFFF0]  }
0x49: {  	v61 =	vmov s31  }
0x4a: {  	v62 =	vshrl.u32 v61, $0x3;
	[tilespmem:v58+s19+$0x0] =	vst.idx.msk $0xffff, v33  }
0x4b: {  	v33 =	vshll.u32 v62, v1;
	[tilespmem:v59+s19+$0x0] =	vst.idx.msk $0xffff, v36  }
0x4c: {  	v33 =	vbroadcast v33, $0x0;
	[tilespmem:v60+s19+$0x0] =	vst.idx.msk $0xffff, v38  }
0x4d: {  	[tilespmem:v34+s19+$0x0] =	vst.idx.msk $0xffff, v40  }
0x4e: {  	v63 =	vadd.s32 v17, v33;
	v34 =	vld [tilespmem:s28+$0x0]  }
0x4f: {  	v44 =	vadd.s32 v18, v33;
	v36 =	vld [tilespmem:s28+$0x10]  }
0x50: {  	v45 =	vadd.s32 v19, v33;
	v38 =	vld [tilespmem:s28+$0x20]  }
0x51: {  	s2 =	simm.s32 $0x5;
	v33 =	vadd.s32 v20, v33;
	v40 =	vld [tilespmem:s28+$0x30]  }
0x52: {  	v46 =	vmov s2  }
0x53: {  	v47 =	vshrl.u32 v46, $0x3;
	[tilespmem:v63+s19+$0x0] =	vst.idx.msk $0xffff, v34  }
0x54: {  	v34 =	vshll.u32 v47, v1;
	[tilespmem:v44+s19+$0x0] =	vst.idx.msk $0xffff, v36  }
0x55: {  	v34 =	vbroadcast v34, $0x0;
	[tilespmem:v45+s19+$0x0] =	vst.idx.msk $0xffff, v38  }
0x56: {  	[tilespmem:v33+s19+$0x0] =	vst.idx.msk $0xffff, v40  }
0x57: {  	v48 =	vadd.s32 v21, v34;
	v33 =	vld [tilespmem:s28+$0x40]  }
0x58: {  	v49 =	vadd.s32 v22, v34;
	v36 =	vld [tilespmem:s28+$0x50]  }
0x59: {  	v50 =	vadd.s32 v23, v34;
	v38 =	vld [tilespmem:s28+$0x60]  }
0x5a: {  	s26 =	simm.s32 $0x6;
	v34 =	vadd.s32 v24, v34;
	v40 =	vld [tilespmem:s28+$0x70]  }
0x5b: {  	v51 =	vmov s26  }
0x5c: {  	v52 =	vshrl.u32 v51, $0x3;
	[tilespmem:v48+s19+$0x0] =	vst.idx.msk $0xffff, v33  }
0x5d: {  	v33 =	vshll.u32 v52, v1;
	[tilespmem:v49+s19+$0x0] =	vst.idx.msk $0xffff, v36  }
0x5e: {  	v33 =	vbroadcast v33, $0x0;
	[tilespmem:v50+s19+$0x0] =	vst.idx.msk $0xffff, v38  }
0x5f: {  	[tilespmem:v34+s19+$0x0] =	vst.idx.msk $0xffff, v40  }
0x60: {  	v53 =	vadd.s32 v25, v33;
	v34 =	vld [tilespmem:s28+$0x80]  }
0x61: {  	v54 =	vadd.s32 v26, v33;
	v36 =	vld [tilespmem:s28+$0x90]  }
0x62: {  	v55 =	vadd.s32 v27, v33;
	v38 =	vld [tilespmem:s28+$0xA0]  }
0x63: {  	s31 =	simm.s32 $0x7;
	v33 =	vadd.s32 v28, v33;
	v40 =	vld [tilespmem:s28+$0xB0]  }
0x64: {  	v56 =	vmov s31  }
0x65: {  	v57 =	vshrl.u32 v56, $0x3;
	[tilespmem:v53+s19+$0x0] =	vst.idx.msk $0xffff, v34  }
0x66: {  	v34 =	vshll.u32 v57, v1;
	[tilespmem:v54+s19+$0x0] =	vst.idx.msk $0xffff, v36  }
0x67: {  	v58 =	vbroadcast v34, $0x0;
	[tilespmem:v55+s19+$0x0] =	vst.idx.msk $0xffff, v38  }
0x68: {  	[tilespmem:v33+s19+$0x0] =	vst.idx.msk $0xffff, v40  }
0x69: {  	v59 =	vadd.s32 v29, v58;
	v33 =	vld [tilespmem:s28+$0xC0]  }
0x6a: {  	v60 =	vadd.s32 v30, v58;
	v37 =	vld [tilespmem:s28+$0xD0]  }
0x6b: {  	v61 =	vadd.s32 v31, v58;
	v39 =	vld [tilespmem:s28+$0xE0]  }
0x6c: {  	s29 =	simm.s32 $0x8  }
0x6d: {  	v62 =	vmov s29;
	v35 =	vadd.s32 v32, v58;
	v34 =	vld [tilespmem:s28+$0xF0]  }
0x6e: {  	v41 =	vshrl.u32 v62, $0x3;
	[tilespmem:v59+s19+$0x0] =	vst.idx.msk $0xffff, v33  }
0x6f: {  	v63 =	vshll.u32 v41, v1;
	[tilespmem:v60+s19+$0x0] =	vst.idx.msk $0xffff, v37  }
0x70: {  	s30 =	simm.s32 $0x10;
	s26 =	sshll.u32 s25, $0x9;
	v33 =	vbroadcast v63, $0x0;
	[tilespmem:v61+s19+$0x0] =	vst.idx.msk $0xffff, v39  }
.LBB2_3:
0x71: {  	p1 =	slt.u32 s30, $0xF8  }
0x72: {  	[tilespmem:v35+s19+$0x0] =	vst.idx.msk $0xffff, v34;
	s28 =	sadd.s32 $0x200, s28;
	s31 =	smov.u32 s30;
	s30 =	sadd.s32 $0x8, s30  }
0x73: {  	v34 =	vld [tilespmem:s28+$0xFFFFFF00];
	v35 =	vadd.s32 v0, v33  }
0x74: {  	v37 =	vadd.s32 v2, v33;
	v36 =	vld [tilespmem:s28+$0xFFFFFF10]  }
0x75: {  	v39 =	vadd.s32 v3, v33;
	v38 =	vld [tilespmem:s28+$0xFFFFFF20]  }
0x76: {  	s0 =	sadd.s32 $0x1, s29;
	v33 =	vadd.s32 v4, v33;
	v40 =	vld [tilespmem:s28+$0xFFFFFF30]  }
0x77: {  	v41 =	vmov s0  }
0x78: {  	[tilespmem:v35+s19+$0x0] =	vst.idx.msk $0xffff, v34;
	v34 =	vshrl.u32 v41, $0x3  }
0x79: {  	[tilespmem:v37+s19+$0x0] =	vst.idx.msk $0xffff, v36;
	v34 =	vshll.u32 v34, v1  }
0x7a: {  	[tilespmem:v39+s19+$0x0] =	vst.idx.msk $0xffff, v38;
	v34 =	vbroadcast v34, $0x0  }
0x7b: {  	[tilespmem:v33+s19+$0x0] =	vst.idx.msk $0xffff, v40  }
0x7c: {  	v33 =	vld [tilespmem:s28+$0xFFFFFF40];
	v35 =	vadd.s32 v5, v34  }
0x7d: {  	v37 =	vadd.s32 v6, v34;
	v36 =	vld [tilespmem:s28+$0xFFFFFF50]  }
0x7e: {  	v39 =	vadd.s32 v7, v34;
	v38 =	vld [tilespmem:s28+$0xFFFFFF60]  }
0x7f: {  	s0 =	sadd.s32 $0x2, s29;
	v34 =	vadd.s32 v8, v34;
	v40 =	vld [tilespmem:s28+$0xFFFFFF70]  }
0x80: {  	v41 =	vmov s0  }
0x81: {  	[tilespmem:v35+s19+$0x0] =	vst.idx.msk $0xffff, v33;
	v33 =	vshrl.u32 v41, $0x3  }
0x82: {  	[tilespmem:v37+s19+$0x0] =	vst.idx.msk $0xffff, v36;
	v33 =	vshll.u32 v33, v1  }
0x83: {  	[tilespmem:v39+s19+$0x0] =	vst.idx.msk $0xffff, v38;
	v33 =	vbroadcast v33, $0x0  }
0x84: {  	[tilespmem:v34+s19+$0x0] =	vst.idx.msk $0xffff, v40  }
0x85: {  	v34 =	vld [tilespmem:s28+$0xFFFFFF80];
	v35 =	vadd.s32 v9, v33  }
0x86: {  	v37 =	vadd.s32 v10, v33;
	v36 =	vld [tilespmem:s28+$0xFFFFFF90]  }
0x87: {  	v39 =	vadd.s32 v11, v33;
	v38 =	vld [tilespmem:s28+$0xFFFFFFA0]  }
0x88: {  	s0 =	sadd.s32 $0x3, s29;
	v33 =	vadd.s32 v12, v33;
	v40 =	vld [tilespmem:s28+$0xFFFFFFB0]  }
0x89: {  	v41 =	vmov s0  }
0x8a: {  	[tilespmem:v35+s19+$0x0] =	vst.idx.msk $0xffff, v34;
	v34 =	vshrl.u32 v41, $0x3  }
0x8b: {  	[tilespmem:v37+s19+$0x0] =	vst.idx.msk $0xffff, v36;
	v34 =	vshll.u32 v34, v1  }
0x8c: {  	[tilespmem:v39+s19+$0x0] =	vst.idx.msk $0xffff, v38;
	v34 =	vbroadcast v34, $0x0  }
0x8d: {  	[tilespmem:v33+s19+$0x0] =	vst.idx.msk $0xffff, v40  }
0x8e: {  	v33 =	vld [tilespmem:s28+$0xFFFFFFC0];
	v35 =	vadd.s32 v13, v34  }
0x8f: {  	v37 =	vadd.s32 v14, v34;
	v36 =	vld [tilespmem:s28+$0xFFFFFFD0]  }
0x90: {  	v39 =	vadd.s32 v15, v34;
	v38 =	vld [tilespmem:s28+$0xFFFFFFE0]  }
0x91: {  	s0 =	sadd.s32 $0x4, s29;
	v34 =	vadd.s32 v16, v34;
	v40 =	vld [tilespmem:s28+$0xFFFFFFF0]  }
0x92: {  	v41 =	vmov s0  }
0x93: {  	[tilespmem:v35+s19+$0x0] =	vst.idx.msk $0xffff, v33;
	v33 =	vshrl.u32 v41, $0x3  }
0x94: {  	[tilespmem:v37+s19+$0x0] =	vst.idx.msk $0xffff, v36;
	v33 =	vshll.u32 v33, v1  }
0x95: {  	[tilespmem:v39+s19+$0x0] =	vst.idx.msk $0xffff, v38;
	v33 =	vbroadcast v33, $0x0  }
0x96: {  	[tilespmem:v34+s19+$0x0] =	vst.idx.msk $0xffff, v40  }
0x97: {  	v34 =	vld [tilespmem:s28+$0x0];
	v35 =	vadd.s32 v17, v33  }
0x98: {  	v37 =	vadd.s32 v18, v33;
	v36 =	vld [tilespmem:s28+$0x10]  }
0x99: {  	v39 =	vadd.s32 v19, v33;
	v38 =	vld [tilespmem:s28+$0x20]  }
0x9a: {  	s0 =	sadd.s32 $0x5, s29;
	v33 =	vadd.s32 v20, v33;
	v40 =	vld [tilespmem:s28+$0x30]  }
0x9b: {  	v41 =	vmov s0  }
0x9c: {  	[tilespmem:v35+s19+$0x0] =	vst.idx.msk $0xffff, v34;
	v34 =	vshrl.u32 v41, $0x3  }
0x9d: {  	[tilespmem:v37+s19+$0x0] =	vst.idx.msk $0xffff, v36;
	v34 =	vshll.u32 v34, v1  }
0x9e: {  	[tilespmem:v39+s19+$0x0] =	vst.idx.msk $0xffff, v38;
	v34 =	vbroadcast v34, $0x0  }
0x9f: {  	[tilespmem:v33+s19+$0x0] =	vst.idx.msk $0xffff, v40  }
0xa0: {  	v33 =	vld [tilespmem:s28+$0x40];
	v35 =	vadd.s32 v21, v34  }
0xa1: {  	v37 =	vadd.s32 v22, v34;
	v36 =	vld [tilespmem:s28+$0x50]  }
0xa2: {  	v39 =	vadd.s32 v23, v34;
	v38 =	vld [tilespmem:s28+$0x60]  }
0xa3: {  	s0 =	sadd.s32 $0x6, s29;
	v34 =	vadd.s32 v24, v34;
	v40 =	vld [tilespmem:s28+$0x70]  }
0xa4: {  	v41 =	vmov s0  }
0xa5: {  	[tilespmem:v35+s19+$0x0] =	vst.idx.msk $0xffff, v33;
	v33 =	vshrl.u32 v41, $0x3  }
0xa6: {  	[tilespmem:v37+s19+$0x0] =	vst.idx.msk $0xffff, v36;
	v33 =	vshll.u32 v33, v1  }
0xa7: {  	[tilespmem:v39+s19+$0x0] =	vst.idx.msk $0xffff, v38;
	v33 =	vbroadcast v33, $0x0  }
0xa8: {  	[tilespmem:v34+s19+$0x0] =	vst.idx.msk $0xffff, v40  }
0xa9: {  	v34 =	vld [tilespmem:s28+$0x80];
	v35 =	vadd.s32 v25, v33  }
0xaa: {  	v37 =	vadd.s32 v26, v33;
	v36 =	vld [tilespmem:s28+$0x90]  }
0xab: {  	v39 =	vadd.s32 v27, v33;
	v38 =	vld [tilespmem:s28+$0xA0]  }
0xac: {  	s0 =	sadd.s32 $0x7, s29;
	s29 =	smov.u32 s31;
	v33 =	vadd.s32 v28, v33;
	v40 =	vld [tilespmem:s28+$0xB0]  }
0xad: {  	v41 =	vmov s0  }
0xae: {  	[tilespmem:v35+s19+$0x0] =	vst.idx.msk $0xffff, v34;
	v34 =	vshrl.u32 v41, $0x3  }
0xaf: {  	[tilespmem:v37+s19+$0x0] =	vst.idx.msk $0xffff, v36;
	v34 =	vshll.u32 v34, v1  }
0xb0: {  	[tilespmem:v39+s19+$0x0] =	vst.idx.msk $0xffff, v38;
	v35 =	vbroadcast v34, $0x0  }
0xb1: {  	[tilespmem:v33+s19+$0x0] =	vst.idx.msk $0xffff, v40  }
0xb2: {  	v33 =	vld [tilespmem:s28+$0xC0];
	v36 =	vadd.s32 v29, v35  }
0xb3: {  	v38 =	vadd.s32 v30, v35;
	v37 =	vld [tilespmem:s28+$0xD0]  }
0xb4: {  	v40 =	vadd.s32 v31, v35;
	v39 =	vld [tilespmem:s28+$0xE0]  }
.Ltmp2:
0xb5: {  	v35 =	vadd.s32 v32, v35;
	v34 =	vld [tilespmem:s28+$0xF0];
	(pc) =	sbr.rel @p1 .LBB2_3-.Ltmp2, $4  }
0xb6: {  	v41 =	vmov s29  }
0xb7: {  	v41 =	vshrl.u32 v41, $0x3;
	[tilespmem:v36+s19+$0x0] =	vst.idx.msk $0xffff, v33  }
0xb8: {  	v33 =	vshll.u32 v41, v1;
	[tilespmem:v38+s19+$0x0] =	vst.idx.msk $0xffff, v37  }
0xb9: {  	v33 =	vbroadcast v33, $0x0;
	[tilespmem:v40+s19+$0x0] =	vst.idx.msk $0xffff, v39  }
0xba: {  	_ =	sdelay $0x3  }
0xbb: {  	[tilespmem:v35+s19+$0x0] =	vst.idx.msk $0xffff, v34;
	s0 =	sadd.s32 $0x200, s28  }
0xbc: {  	v34 =	vld [tilespmem:s0+$0xFFFFFF00];
	v48 =	vadd.s32 v0, v33  }
0xbd: {  	v36 =	vld [tilespmem:s0+$0xFFFFFF10];
	v37 =	vadd.s32 v2, v33  }
0xbe: {  	v38 =	vld [tilespmem:s0+$0xFFFFFF20];
	v39 =	vadd.s32 v3, v33  }
0xbf: {  	s2 =	sadd.s32 $0x1, s29;
	v40 =	vld [tilespmem:s0+$0xFFFFFF30];
	v49 =	vadd.s32 v4, v33  }
0xc0: {  	v41 =	vmov s2  }
0xc1: {  	v50 =	vshrl.u32 v41, $0x3;
	[tilespmem:v48+s19+$0x0] =	vst.idx.msk $0xffff, v34  }
0xc2: {  	v34 =	vshll.u32 v50, v1;
	[tilespmem:v37+s19+$0x0] =	vst.idx.msk $0xffff, v36  }
0xc3: {  	v34 =	vbroadcast v34, $0x0;
	[tilespmem:v39+s19+$0x0] =	vst.idx.msk $0xffff, v38  }
0xc4: {  	[tilespmem:v49+s19+$0x0] =	vst.idx.msk $0xffff, v40  }
0xc5: {  	v51 =	vadd.s32 v5, v34;
	v33 =	vld [tilespmem:s0+$0xFFFFFF40]  }
0xc6: {  	v52 =	vadd.s32 v6, v34;
	v36 =	vld [tilespmem:s0+$0xFFFFFF50]  }
0xc7: {  	v53 =	vadd.s32 v7, v34;
	v38 =	vld [tilespmem:s0+$0xFFFFFF60]  }
0xc8: {  	s2 =	sadd.s32 $0x2, s29;
	v34 =	vadd.s32 v8, v34;
	v40 =	vld [tilespmem:s0+$0xFFFFFF70]  }
0xc9: {  	v54 =	vmov s2  }
0xca: {  	v55 =	vshrl.u32 v54, $0x3;
	[tilespmem:v51+s19+$0x0] =	vst.idx.msk $0xffff, v33  }
0xcb: {  	v33 =	vshll.u32 v55, v1;
	[tilespmem:v52+s19+$0x0] =	vst.idx.msk $0xffff, v36  }
0xcc: {  	v33 =	vbroadcast v33, $0x0;
	[tilespmem:v53+s19+$0x0] =	vst.idx.msk $0xffff, v38  }
0xcd: {  	[tilespmem:v34+s19+$0x0] =	vst.idx.msk $0xffff, v40  }
0xce: {  	v56 =	vadd.s32 v9, v33;
	v34 =	vld [tilespmem:s0+$0xFFFFFF80]  }
0xcf: {  	v57 =	vadd.s32 v10, v33;
	v36 =	vld [tilespmem:s0+$0xFFFFFF90]  }
0xd0: {  	v58 =	vadd.s32 v11, v33;
	v38 =	vld [tilespmem:s0+$0xFFFFFFA0]  }
0xd1: {  	s2 =	sadd.s32 $0x3, s29;
	v33 =	vadd.s32 v12, v33;
	v40 =	vld [tilespmem:s0+$0xFFFFFFB0]  }
0xd2: {  	v59 =	vmov s2  }
0xd3: {  	v60 =	vshrl.u32 v59, $0x3;
	[tilespmem:v56+s19+$0x0] =	vst.idx.msk $0xffff, v34  }
0xd4: {  	v34 =	vshll.u32 v60, v1;
	[tilespmem:v57+s19+$0x0] =	vst.idx.msk $0xffff, v36  }
0xd5: {  	v34 =	vbroadcast v34, $0x0;
	[tilespmem:v58+s19+$0x0] =	vst.idx.msk $0xffff, v38  }
0xd6: {  	[tilespmem:v33+s19+$0x0] =	vst.idx.msk $0xffff, v40  }
0xd7: {  	v61 =	vadd.s32 v13, v34;
	v33 =	vld [tilespmem:s0+$0xFFFFFFC0]  }
0xd8: {  	v62 =	vadd.s32 v14, v34;
	v36 =	vld [tilespmem:s0+$0xFFFFFFD0]  }
0xd9: {  	v63 =	vadd.s32 v15, v34;
	v38 =	vld [tilespmem:s0+$0xFFFFFFE0]  }
0xda: {  	s2 =	sadd.s32 $0x4, s29;
	v34 =	vadd.s32 v16, v34;
	v40 =	vld [tilespmem:s0+$0xFFFFFFF0]  }
0xdb: {  	v44 =	vmov s2  }
0xdc: {  	v45 =	vshrl.u32 v44, $0x3;
	[tilespmem:v61+s19+$0x0] =	vst.idx.msk $0xffff, v33  }
0xdd: {  	v33 =	vshll.u32 v45, v1;
	[tilespmem:v62+s19+$0x0] =	vst.idx.msk $0xffff, v36  }
0xde: {  	v33 =	vbroadcast v33, $0x0;
	[tilespmem:v63+s19+$0x0] =	vst.idx.msk $0xffff, v38  }
0xdf: {  	[tilespmem:v34+s19+$0x0] =	vst.idx.msk $0xffff, v40  }
0xe0: {  	v46 =	vadd.s32 v17, v33;
	v34 =	vld [tilespmem:s0+$0x0]  }
0xe1: {  	v47 =	vadd.s32 v18, v33;
	v36 =	vld [tilespmem:s0+$0x10]  }
0xe2: {  	v48 =	vadd.s32 v19, v33;
	v38 =	vld [tilespmem:s0+$0x20]  }
0xe3: {  	s2 =	sadd.s32 $0x5, s29;
	v33 =	vadd.s32 v20, v33;
	v40 =	vld [tilespmem:s0+$0x30]  }
0xe4: {  	v49 =	vmov s2  }
0xe5: {  	v50 =	vshrl.u32 v49, $0x3;
	[tilespmem:v46+s19+$0x0] =	vst.idx.msk $0xffff, v34  }
0xe6: {  	v34 =	vshll.u32 v50, v1;
	[tilespmem:v47+s19+$0x0] =	vst.idx.msk $0xffff, v36  }
0xe7: {  	v34 =	vbroadcast v34, $0x0;
	[tilespmem:v48+s19+$0x0] =	vst.idx.msk $0xffff, v38  }
0xe8: {  	[tilespmem:v33+s19+$0x0] =	vst.idx.msk $0xffff, v40  }
0xe9: {  	v51 =	vadd.s32 v21, v34;
	v33 =	vld [tilespmem:s0+$0x40]  }
0xea: {  	v52 =	vadd.s32 v22, v34;
	v36 =	vld [tilespmem:s0+$0x50]  }
0xeb: {  	v53 =	vadd.s32 v23, v34;
	v38 =	vld [tilespmem:s0+$0x60]  }
0xec: {  	s2 =	sadd.s32 $0x6, s29;
	v34 =	vadd.s32 v24, v34;
	v40 =	vld [tilespmem:s0+$0x70]  }
0xed: {  	v54 =	vmov s2  }
0xee: {  	v55 =	vshrl.u32 v54, $0x3;
	[tilespmem:v51+s19+$0x0] =	vst.idx.msk $0xffff, v33  }
0xef: {  	v33 =	vshll.u32 v55, v1;
	[tilespmem:v52+s19+$0x0] =	vst.idx.msk $0xffff, v36  }
0xf0: {  	v33 =	vbroadcast v33, $0x0;
	[tilespmem:v53+s19+$0x0] =	vst.idx.msk $0xffff, v38  }
0xf1: {  	[tilespmem:v34+s19+$0x0] =	vst.idx.msk $0xffff, v40  }
0xf2: {  	v56 =	vadd.s32 v25, v33;
	v34 =	vld [tilespmem:s0+$0x80]  }
0xf3: {  	v57 =	vadd.s32 v26, v33;
	v36 =	vld [tilespmem:s0+$0x90]  }
0xf4: {  	v58 =	vadd.s32 v27, v33;
	v38 =	vld [tilespmem:s0+$0xA0]  }
0xf5: {  	s2 =	sadd.s32 $0x7, s29;
	v33 =	vadd.s32 v28, v33;
	v40 =	vld [tilespmem:s0+$0xB0]  }
0xf6: {  	v59 =	vmov s2  }
0xf7: {  	v60 =	vshrl.u32 v59, $0x3;
	[tilespmem:v56+s19+$0x0] =	vst.idx.msk $0xffff, v34  }
0xf8: {  	v34 =	vshll.u32 v60, v1;
	[tilespmem:v57+s19+$0x0] =	vst.idx.msk $0xffff, v36  }
0xf9: {  	v34 =	vbroadcast v34, $0x0;
	[tilespmem:v58+s19+$0x0] =	vst.idx.msk $0xffff, v38  }
0xfa: {  	[tilespmem:v33+s19+$0x0] =	vst.idx.msk $0xffff, v40  }
0xfb: {  	v61 =	vadd.s32 v29, v34;
	v33 =	vld [tilespmem:s0+$0xC0]  }
0xfc: {  	v62 =	vadd.s32 v30, v34;
	v36 =	vld [tilespmem:s0+$0xD0]  }
0xfd: {  	v63 =	vadd.s32 v31, v34;
	v38 =	vld [tilespmem:s0+$0xE0]  }
0xfe: {  	v34 =	vadd.s32 v32, v34;
	v40 =	vld [tilespmem:s0+$0xF0]  }
0xff: {  	s2 =	sshll.u32 s25, $0x14  }
0x100: {  	s0 =	sor.u32 s4, s2;
	[tilespmem:v61+s19+$0x0] =	vst.idx.msk $0xffff, v33  }
0x101: {  	s28 =	sshrl.u32 s0, $0x3;
	[tilespmem:v62+s19+$0x0] =	vst.idx.msk $0xffff, v36  }
0x102: {  	s30 =	simm.s32 $0x400;
	s0 =	sadd.s32 s1, s28;
	[tilespmem:v63+s19+$0x0] =	vst.idx.msk $0xffff, v38  }
0x103: {  	s31 =	simm.s32 $0x14908;
	s29 =	simm.s32 $0x14800;
	s2 =	sadd.s32 $0x0, s0;
	[tilespmem:v34+s19+$0x0] =	vst.idx.msk $0xffff, v40  }
.LBB2_5:
0x104: {  	[hbm4b:s2+s3] =	stream.linear.scatter [tilespmem:s29], [sflag:$0x3], $0x100, $0x38;
	[tilespmem:$0x1CC00] =	vst v63  }
0x105: {  	s2 =	smov.u32 s30;
	s29 =	smov.u32 s31;
	p1 =	sne.s32 s30, $0xFC00  }
.Ltmp3:
0x106: {  	s30 =	sadd.s32 $0x400, s30;
	(pc) =	sbr.rel @p1 .LBB2_5-.Ltmp3, $2  }
0x107: {  	_ =	sdelay $0x2  }
0x108: {  	s31 =	sadd.s32 $0x108, s31;
	s2 =	sadd.s32 s2, s0  }
0x109: {  	[hbm4b:s2+s3] =	stream.linear.scatter [tilespmem:s29], [sflag:$0x3], $0x100, $0x38;
	[tilespmem:$0x1CC00] =	vst v63  }
0x10a: {  	p1 =	seq.s32 s25, $0x63  }
0x10b: {  	s0 =	sadd.s32 @!p1 $0x200, s26;
	s2 =	simm.s32 @!p1 $0x80;
	s29 =	simm.s32 @!p1 $0xC800  }
0x10c: {  	[tilespmem:s29], [sflag:$0x1] =	stream.indirect.gather @!p1 [hbm4b:s5+s2], $0x40, s0, s2, $0xb8;
	[tilespmem:$0x1CC00] =	vst v63  }
0x10d: {  	s0 =	sadd.s32 @!p1 $0x280, s26;
	s29 =	simm.s32 @!p1 $0xE800  }
0x10e: {  	[tilespmem:s29], [sflag:$0x1] =	stream.indirect.gather @!p1 [hbm4b:s5+s2], $0x40, s0, s2, $0xb8;
	[tilespmem:$0x1CC00] =	vst v63  }
0x10f: {  	_ =	swait.ge [sflag:s20], $0x2000  }
0x110: {  	[sflag:s20] =	ssyncset.done $0x0  }
0x111: {  	[sflag:s20] =	ssyncadd.s32 $0xFFFFE000  }
0x112: {  	s2 =	simm.s32 $0x0;
	_ =	swait.ge [sflag:s20], $0x2000  }
0x113: {  	v33 =	vmov s2;
	[sflag:s20] =	ssyncset.done $0x0  }
0x114: {  	s0 =	simm.s32 @!p0 $0x4;
	v33 =	vshrl.u32 v33, $0x3;
	[sflag:s20] =	ssyncadd.s32 $0xFFFFE000  }
0x115: {  	v33 =	vshll.u32 v33, v1;
	_ =	swait.ge @!p0 [sflag:s0], $0x4000  }
0x116: {  	v33 =	vbroadcast v33, $0x0;
	[sflag:s0] =	ssyncset.done @!p0 $0x0  }
0x117: {  	s29 =	simm.s32 $0x109F0;
	[sflag:s0] =	ssyncadd.s32 @!p0 $0xFFFFC000  }
0x118: {  	v35 =	vadd.s32 v0, v33;
	v34 =	vld [tilespmem:s29+$0xFFFFFE10]  }
0x119: {  	v37 =	vadd.s32 v2, v33;
	v36 =	vld [tilespmem:s29+$0xFFFFFE20]  }
0x11a: {  	v39 =	vadd.s32 v3, v33;
	v38 =	vld [tilespmem:s29+$0xFFFFFE30]  }
0x11b: {  	s2 =	simm.s32 $0x1;
	v33 =	vadd.s32 v4, v33;
	v40 =	vld [tilespmem:s29+$0xFFFFFE40]  }
0x11c: {  	v41 =	vmov s2  }
0x11d: {  	v47 =	vshrl.u32 v41, $0x3;
	[tilespmem:v35+s21+$0x0] =	vst.idx.msk $0xffff, v34  }
0x11e: {  	v34 =	vshll.u32 v47, v1;
	[tilespmem:v37+s21+$0x0] =	vst.idx.msk $0xffff, v36  }
0x11f: {  	v34 =	vbroadcast v34, $0x0;
	[tilespmem:v39+s21+$0x0] =	vst.idx.msk $0xffff, v38  }
0x120: {  	[tilespmem:v33+s21+$0x0] =	vst.idx.msk $0xffff, v40  }
0x121: {  	v48 =	vadd.s32 v5, v34;
	v33 =	vld [tilespmem:s29+$0xFFFFFE50]  }
0x122: {  	v49 =	vadd.s32 v6, v34;
	v36 =	vld [tilespmem:s29+$0xFFFFFE60]  }
0x123: {  	v50 =	vadd.s32 v7, v34;
	v38 =	vld [tilespmem:s29+$0xFFFFFE70]  }
0x124: {  	s2 =	simm.s32 $0x2;
	v34 =	vadd.s32 v8, v34;
	v40 =	vld [tilespmem:s29+$0xFFFFFE80]  }
0x125: {  	v51 =	vmov s2  }
0x126: {  	v52 =	vshrl.u32 v51, $0x3;
	[tilespmem:v48+s21+$0x0] =	vst.idx.msk $0xffff, v33  }
0x127: {  	v33 =	vshll.u32 v52, v1;
	[tilespmem:v49+s21+$0x0] =	vst.idx.msk $0xffff, v36  }
0x128: {  	v33 =	vbroadcast v33, $0x0;
	[tilespmem:v50+s21+$0x0] =	vst.idx.msk $0xffff, v38  }
0x129: {  	[tilespmem:v34+s21+$0x0] =	vst.idx.msk $0xffff, v40  }
0x12a: {  	v53 =	vadd.s32 v9, v33;
	v34 =	vld [tilespmem:s29+$0xFFFFFE90]  }
0x12b: {  	v54 =	vadd.s32 v10, v33;
	v36 =	vld [tilespmem:s29+$0xFFFFFEA0]  }
0x12c: {  	v55 =	vadd.s32 v11, v33;
	v38 =	vld [tilespmem:s29+$0xFFFFFEB0]  }
0x12d: {  	s2 =	simm.s32 $0x3;
	v33 =	vadd.s32 v12, v33;
	v40 =	vld [tilespmem:s29+$0xFFFFFEC0]  }
0x12e: {  	v56 =	vmov s2  }
0x12f: {  	v57 =	vshrl.u32 v56, $0x3;
	[tilespmem:v53+s21+$0x0] =	vst.idx.msk $0xffff, v34  }
0x130: {  	v34 =	vshll.u32 v57, v1;
	[tilespmem:v54+s21+$0x0] =	vst.idx.msk $0xffff, v36  }
0x131: {  	v34 =	vbroadcast v34, $0x0;
	[tilespmem:v55+s21+$0x0] =	vst.idx.msk $0xffff, v38  }
0x132: {  	[tilespmem:v33+s21+$0x0] =	vst.idx.msk $0xffff, v40  }
0x133: {  	v58 =	vadd.s32 v13, v34;
	v33 =	vld [tilespmem:s29+$0xFFFFFED0]  }
0x134: {  	v59 =	vadd.s32 v14, v34;
	v36 =	vld [tilespmem:s29+$0xFFFFFEE0]  }
0x135: {  	v60 =	vadd.s32 v15, v34;
	v38 =	vld [tilespmem:s29+$0xFFFFFEF0]  }
0x136: {  	s2 =	simm.s32 $0x4;
	v34 =	vadd.s32 v16, v34;
	v40 =	vld [tilespmem:s29+$0xFFFFFF00]  }
0x137: {  	v61 =	vmov s2  }
0x138: {  	v62 =	vshrl.u32 v61, $0x3;
	[tilespmem:v58+s21+$0x0] =	vst.idx.msk $0xffff, v33  }
0x139: {  	v33 =	vshll.u32 v62, v1;
	[tilespmem:v59+s21+$0x0] =	vst.idx.msk $0xffff, v36  }
0x13a: {  	v33 =	vbroadcast v33, $0x0;
	[tilespmem:v60+s21+$0x0] =	vst.idx.msk $0xffff, v38  }
0x13b: {  	[tilespmem:v34+s21+$0x0] =	vst.idx.msk $0xffff, v40  }
0x13c: {  	v63 =	vadd.s32 v17, v33;
	v34 =	vld [tilespmem:s29+$0xFFFFFF10]  }
0x13d: {  	v44 =	vadd.s32 v18, v33;
	v36 =	vld [tilespmem:s29+$0xFFFFFF20]  }
0x13e: {  	v45 =	vadd.s32 v19, v33;
	v38 =	vld [tilespmem:s29+$0xFFFFFF30]  }
0x13f: {  	s2 =	simm.s32 $0x5;
	v33 =	vadd.s32 v20, v33;
	v40 =	vld [tilespmem:s29+$0xFFFFFF40]  }
0x140: {  	v46 =	vmov s2  }
0x141: {  	v47 =	vshrl.u32 v46, $0x3;
	[tilespmem:v63+s21+$0x0] =	vst.idx.msk $0xffff, v34  }
0x142: {  	v34 =	vshll.u32 v47, v1;
	[tilespmem:v44+s21+$0x0] =	vst.idx.msk $0xffff, v36  }
0x143: {  	v34 =	vbroadcast v34, $0x0;
	[tilespmem:v45+s21+$0x0] =	vst.idx.msk $0xffff, v38  }
0x144: {  	[tilespmem:v33+s21+$0x0] =	vst.idx.msk $0xffff, v40  }
0x145: {  	v48 =	vadd.s32 v21, v34;
	v33 =	vld [tilespmem:s29+$0xFFFFFF50]  }
0x146: {  	v49 =	vadd.s32 v22, v34;
	v36 =	vld [tilespmem:s29+$0xFFFFFF60]  }
0x147: {  	v50 =	vadd.s32 v23, v34;
	v38 =	vld [tilespmem:s29+$0xFFFFFF70]  }
0x148: {  	s2 =	simm.s32 $0x6;
	v34 =	vadd.s32 v24, v34;
	v40 =	vld [tilespmem:s29+$0xFFFFFF80]  }
0x149: {  	v51 =	vmov s2  }
0x14a: {  	v52 =	vshrl.u32 v51, $0x3;
	[tilespmem:v48+s21+$0x0] =	vst.idx.msk $0xffff, v33  }
0x14b: {  	v33 =	vshll.u32 v52, v1;
	[tilespmem:v49+s21+$0x0] =	vst.idx.msk $0xffff, v36  }
0x14c: {  	v33 =	vbroadcast v33, $0x0;
	[tilespmem:v50+s21+$0x0] =	vst.idx.msk $0xffff, v38  }
0x14d: {  	[tilespmem:v34+s21+$0x0] =	vst.idx.msk $0xffff, v40  }
0x14e: {  	v53 =	vadd.s32 v25, v33;
	v34 =	vld [tilespmem:s29+$0xFFFFFF90]  }
0x14f: {  	v54 =	vadd.s32 v26, v33;
	v36 =	vld [tilespmem:s29+$0xFFFFFFA0]  }
0x150: {  	v55 =	vadd.s32 v27, v33;
	v38 =	vld [tilespmem:s29+$0xFFFFFFB0]  }
0x151: {  	s2 =	simm.s32 $0x7;
	v33 =	vadd.s32 v28, v33;
	v40 =	vld [tilespmem:s29+$0xFFFFFFC0]  }
0x152: {  	v56 =	vmov s2  }
0x153: {  	v57 =	vshrl.u32 v56, $0x3;
	[tilespmem:v53+s21+$0x0] =	vst.idx.msk $0xffff, v34  }
0x154: {  	v34 =	vshll.u32 v57, v1;
	[tilespmem:v54+s21+$0x0] =	vst.idx.msk $0xffff, v36  }
0x155: {  	v58 =	vbroadcast v34, $0x0;
	[tilespmem:v55+s21+$0x0] =	vst.idx.msk $0xffff, v38  }
0x156: {  	[tilespmem:v33+s21+$0x0] =	vst.idx.msk $0xffff, v40  }
0x157: {  	v59 =	vadd.s32 v29, v58;
	v33 =	vld [tilespmem:s29+$0xFFFFFFD0]  }
0x158: {  	v60 =	vadd.s32 v30, v58;
	v37 =	vld [tilespmem:s29+$0xFFFFFFE0]  }
0x159: {  	v61 =	vadd.s32 v31, v58;
	v39 =	vld [tilespmem:s29+$0xFFFFFFF0]  }
0x15a: {  	s30 =	simm.s32 $0x8  }
0x15b: {  	v62 =	vmov s30;
	v35 =	vadd.s32 v32, v58;
	v34 =	vld [tilespmem:s29+$0x0]  }
0x15c: {  	v41 =	vshrl.u32 v62, $0x3;
	[tilespmem:v59+s21+$0x0] =	vst.idx.msk $0xffff, v33  }
0x15d: {  	v63 =	vshll.u32 v41, v1;
	[tilespmem:v60+s21+$0x0] =	vst.idx.msk $0xffff, v37  }
0x15e: {  	s31 =	simm.s32 $0x10;
	v33 =	vbroadcast v63, $0x0;
	[tilespmem:v61+s21+$0x0] =	vst.idx.msk $0xffff, v39  }
.LBB2_7:
0x15f: {  	p0 =	slt.u32 s31, $0xF8  }
0x160: {  	[tilespmem:v35+s21+$0x0] =	vst.idx.msk $0xffff, v34;
	s29 =	sadd.s32 $0x200, s29;
	s0 =	smov.u32 s31;
	s31 =	sadd.s32 $0x8, s31  }
0x161: {  	v34 =	vld [tilespmem:s29+$0xFFFFFE10];
	v35 =	vadd.s32 v0, v33  }
0x162: {  	v37 =	vadd.s32 v2, v33;
	v36 =	vld [tilespmem:s29+$0xFFFFFE20]  }
0x163: {  	v39 =	vadd.s32 v3, v33;
	v38 =	vld [tilespmem:s29+$0xFFFFFE30]  }
0x164: {  	s2 =	sadd.s32 $0x1, s30;
	v33 =	vadd.s32 v4, v33;
	v40 =	vld [tilespmem:s29+$0xFFFFFE40]  }
0x165: {  	v41 =	vmov s2  }
0x166: {  	[tilespmem:v35+s21+$0x0] =	vst.idx.msk $0xffff, v34;
	v34 =	vshrl.u32 v41, $0x3  }
0x167: {  	[tilespmem:v37+s21+$0x0] =	vst.idx.msk $0xffff, v36;
	v34 =	vshll.u32 v34, v1  }
0x168: {  	[tilespmem:v39+s21+$0x0] =	vst.idx.msk $0xffff, v38;
	v34 =	vbroadcast v34, $0x0  }
0x169: {  	[tilespmem:v33+s21+$0x0] =	vst.idx.msk $0xffff, v40  }
0x16a: {  	v33 =	vld [tilespmem:s29+$0xFFFFFE50];
	v35 =	vadd.s32 v5, v34  }
0x16b: {  	v37 =	vadd.s32 v6, v34;
	v36 =	vld [tilespmem:s29+$0xFFFFFE60]  }
0x16c: {  	v39 =	vadd.s32 v7, v34;
	v38 =	vld [tilespmem:s29+$0xFFFFFE70]  }
0x16d: {  	s2 =	sadd.s32 $0x2, s30;
	v34 =	vadd.s32 v8, v34;
	v40 =	vld [tilespmem:s29+$0xFFFFFE80]  }
0x16e: {  	v41 =	vmov s2  }
0x16f: {  	[tilespmem:v35+s21+$0x0] =	vst.idx.msk $0xffff, v33;
	v33 =	vshrl.u32 v41, $0x3  }
0x170: {  	[tilespmem:v37+s21+$0x0] =	vst.idx.msk $0xffff, v36;
	v33 =	vshll.u32 v33, v1  }
0x171: {  	[tilespmem:v39+s21+$0x0] =	vst.idx.msk $0xffff, v38;
	v33 =	vbroadcast v33, $0x0  }
0x172: {  	[tilespmem:v34+s21+$0x0] =	vst.idx.msk $0xffff, v40  }
0x173: {  	v34 =	vld [tilespmem:s29+$0xFFFFFE90];
	v35 =	vadd.s32 v9, v33  }
0x174: {  	v37 =	vadd.s32 v10, v33;
	v36 =	vld [tilespmem:s29+$0xFFFFFEA0]  }
0x175: {  	v39 =	vadd.s32 v11, v33;
	v38 =	vld [tilespmem:s29+$0xFFFFFEB0]  }
0x176: {  	s2 =	sadd.s32 $0x3, s30;
	v33 =	vadd.s32 v12, v33;
	v40 =	vld [tilespmem:s29+$0xFFFFFEC0]  }
0x177: {  	v41 =	vmov s2  }
0x178: {  	[tilespmem:v35+s21+$0x0] =	vst.idx.msk $0xffff, v34;
	v34 =	vshrl.u32 v41, $0x3  }
0x179: {  	[tilespmem:v37+s21+$0x0] =	vst.idx.msk $0xffff, v36;
	v34 =	vshll.u32 v34, v1  }
0x17a: {  	[tilespmem:v39+s21+$0x0] =	vst.idx.msk $0xffff, v38;
	v34 =	vbroadcast v34, $0x0  }
0x17b: {  	[tilespmem:v33+s21+$0x0] =	vst.idx.msk $0xffff, v40  }
0x17c: {  	v33 =	vld [tilespmem:s29+$0xFFFFFED0];
	v35 =	vadd.s32 v13, v34  }
0x17d: {  	v37 =	vadd.s32 v14, v34;
	v36 =	vld [tilespmem:s29+$0xFFFFFEE0]  }
0x17e: {  	v39 =	vadd.s32 v15, v34;
	v38 =	vld [tilespmem:s29+$0xFFFFFEF0]  }
0x17f: {  	s2 =	sadd.s32 $0x4, s30;
	v34 =	vadd.s32 v16, v34;
	v40 =	vld [tilespmem:s29+$0xFFFFFF00]  }
0x180: {  	v41 =	vmov s2  }
0x181: {  	[tilespmem:v35+s21+$0x0] =	vst.idx.msk $0xffff, v33;
	v33 =	vshrl.u32 v41, $0x3  }
0x182: {  	[tilespmem:v37+s21+$0x0] =	vst.idx.msk $0xffff, v36;
	v33 =	vshll.u32 v33, v1  }
0x183: {  	[tilespmem:v39+s21+$0x0] =	vst.idx.msk $0xffff, v38;
	v33 =	vbroadcast v33, $0x0  }
0x184: {  	[tilespmem:v34+s21+$0x0] =	vst.idx.msk $0xffff, v40  }
0x185: {  	v34 =	vld [tilespmem:s29+$0xFFFFFF10];
	v35 =	vadd.s32 v17, v33  }
0x186: {  	v37 =	vadd.s32 v18, v33;
	v36 =	vld [tilespmem:s29+$0xFFFFFF20]  }
0x187: {  	v39 =	vadd.s32 v19, v33;
	v38 =	vld [tilespmem:s29+$0xFFFFFF30]  }
0x188: {  	s2 =	sadd.s32 $0x5, s30;
	v33 =	vadd.s32 v20, v33;
	v40 =	vld [tilespmem:s29+$0xFFFFFF40]  }
0x189: {  	v41 =	vmov s2  }
0x18a: {  	[tilespmem:v35+s21+$0x0] =	vst.idx.msk $0xffff, v34;
	v34 =	vshrl.u32 v41, $0x3  }
0x18b: {  	[tilespmem:v37+s21+$0x0] =	vst.idx.msk $0xffff, v36;
	v34 =	vshll.u32 v34, v1  }
0x18c: {  	[tilespmem:v39+s21+$0x0] =	vst.idx.msk $0xffff, v38;
	v34 =	vbroadcast v34, $0x0  }
0x18d: {  	[tilespmem:v33+s21+$0x0] =	vst.idx.msk $0xffff, v40  }
0x18e: {  	v33 =	vld [tilespmem:s29+$0xFFFFFF50];
	v35 =	vadd.s32 v21, v34  }
0x18f: {  	v37 =	vadd.s32 v22, v34;
	v36 =	vld [tilespmem:s29+$0xFFFFFF60]  }
0x190: {  	v39 =	vadd.s32 v23, v34;
	v38 =	vld [tilespmem:s29+$0xFFFFFF70]  }
0x191: {  	s2 =	sadd.s32 $0x6, s30;
	v34 =	vadd.s32 v24, v34;
	v40 =	vld [tilespmem:s29+$0xFFFFFF80]  }
0x192: {  	v41 =	vmov s2  }
0x193: {  	[tilespmem:v35+s21+$0x0] =	vst.idx.msk $0xffff, v33;
	v33 =	vshrl.u32 v41, $0x3  }
0x194: {  	[tilespmem:v37+s21+$0x0] =	vst.idx.msk $0xffff, v36;
	v33 =	vshll.u32 v33, v1  }
0x195: {  	[tilespmem:v39+s21+$0x0] =	vst.idx.msk $0xffff, v38;
	v33 =	vbroadcast v33, $0x0  }
0x196: {  	[tilespmem:v34+s21+$0x0] =	vst.idx.msk $0xffff, v40  }
0x197: {  	v34 =	vld [tilespmem:s29+$0xFFFFFF90];
	v35 =	vadd.s32 v25, v33  }
0x198: {  	v37 =	vadd.s32 v26, v33;
	v36 =	vld [tilespmem:s29+$0xFFFFFFA0]  }
0x199: {  	v39 =	vadd.s32 v27, v33;
	v38 =	vld [tilespmem:s29+$0xFFFFFFB0]  }
0x19a: {  	s2 =	sadd.s32 $0x7, s30;
	s30 =	smov.u32 s0;
	v33 =	vadd.s32 v28, v33;
	v40 =	vld [tilespmem:s29+$0xFFFFFFC0]  }
0x19b: {  	v41 =	vmov s2  }
0x19c: {  	[tilespmem:v35+s21+$0x0] =	vst.idx.msk $0xffff, v34;
	v34 =	vshrl.u32 v41, $0x3  }
0x19d: {  	[tilespmem:v37+s21+$0x0] =	vst.idx.msk $0xffff, v36;
	v34 =	vshll.u32 v34, v1  }
0x19e: {  	[tilespmem:v39+s21+$0x0] =	vst.idx.msk $0xffff, v38;
	v35 =	vbroadcast v34, $0x0  }
0x19f: {  	[tilespmem:v33+s21+$0x0] =	vst.idx.msk $0xffff, v40  }
0x1a0: {  	v33 =	vld [tilespmem:s29+$0xFFFFFFD0];
	v36 =	vadd.s32 v29, v35  }
0x1a1: {  	v38 =	vadd.s32 v30, v35;
	v37 =	vld [tilespmem:s29+$0xFFFFFFE0]  }
0x1a2: {  	v40 =	vadd.s32 v31, v35;
	v39 =	vld [tilespmem:s29+$0xFFFFFFF0]  }
.Ltmp4:
0x1a3: {  	v35 =	vadd.s32 v32, v35;
	v34 =	vld [tilespmem:s29+$0x0];
	(pc) =	sbr.rel @p0 .LBB2_7-.Ltmp4, $4  }
0x1a4: {  	v41 =	vmov s30  }
0x1a5: {  	v41 =	vshrl.u32 v41, $0x3;
	[tilespmem:v36+s21+$0x0] =	vst.idx.msk $0xffff, v33  }
0x1a6: {  	v33 =	vshll.u32 v41, v1;
	[tilespmem:v38+s21+$0x0] =	vst.idx.msk $0xffff, v37  }
0x1a7: {  	v33 =	vbroadcast v33, $0x0;
	[tilespmem:v40+s21+$0x0] =	vst.idx.msk $0xffff, v39  }
0x1a8: {  	_ =	sdelay $0x3  }
0x1a9: {  	[tilespmem:v35+s21+$0x0] =	vst.idx.msk $0xffff, v34;
	s0 =	sadd.s32 $0x200, s29  }
0x1aa: {  	v34 =	vld [tilespmem:s0+$0xFFFFFE10];
	v48 =	vadd.s32 v0, v33  }
0x1ab: {  	v36 =	vld [tilespmem:s0+$0xFFFFFE20];
	v37 =	vadd.s32 v2, v33  }
0x1ac: {  	v38 =	vld [tilespmem:s0+$0xFFFFFE30];
	v39 =	vadd.s32 v3, v33  }
0x1ad: {  	s2 =	sadd.s32 $0x1, s30;
	v40 =	vld [tilespmem:s0+$0xFFFFFE40];
	v49 =	vadd.s32 v4, v33  }
0x1ae: {  	v41 =	vmov s2  }
0x1af: {  	v50 =	vshrl.u32 v41, $0x3;
	[tilespmem:v48+s21+$0x0] =	vst.idx.msk $0xffff, v34  }
0x1b0: {  	v34 =	vshll.u32 v50, v1;
	[tilespmem:v37+s21+$0x0] =	vst.idx.msk $0xffff, v36  }
0x1b1: {  	v34 =	vbroadcast v34, $0x0;
	[tilespmem:v39+s21+$0x0] =	vst.idx.msk $0xffff, v38  }
0x1b2: {  	[tilespmem:v49+s21+$0x0] =	vst.idx.msk $0xffff, v40  }
0x1b3: {  	v51 =	vadd.s32 v5, v34;
	v33 =	vld [tilespmem:s0+$0xFFFFFE50]  }
0x1b4: {  	v52 =	vadd.s32 v6, v34;
	v36 =	vld [tilespmem:s0+$0xFFFFFE60]  }
0x1b5: {  	v53 =	vadd.s32 v7, v34;
	v38 =	vld [tilespmem:s0+$0xFFFFFE70]  }
0x1b6: {  	s31 =	sadd.s32 $0x2, s30;
	v34 =	vadd.s32 v8, v34;
	v40 =	vld [tilespmem:s0+$0xFFFFFE80]  }
0x1b7: {  	v54 =	vmov s31  }
0x1b8: {  	v55 =	vshrl.u32 v54, $0x3;
	[tilespmem:v51+s21+$0x0] =	vst.idx.msk $0xffff, v33  }
0x1b9: {  	v33 =	vshll.u32 v55, v1;
	[tilespmem:v52+s21+$0x0] =	vst.idx.msk $0xffff, v36  }
0x1ba: {  	v33 =	vbroadcast v33, $0x0;
	[tilespmem:v53+s21+$0x0] =	vst.idx.msk $0xffff, v38  }
0x1bb: {  	[tilespmem:v34+s21+$0x0] =	vst.idx.msk $0xffff, v40  }
0x1bc: {  	v56 =	vadd.s32 v9, v33;
	v34 =	vld [tilespmem:s0+$0xFFFFFE90]  }
0x1bd: {  	v57 =	vadd.s32 v10, v33;
	v36 =	vld [tilespmem:s0+$0xFFFFFEA0]  }
0x1be: {  	v58 =	vadd.s32 v11, v33;
	v38 =	vld [tilespmem:s0+$0xFFFFFEB0]  }
0x1bf: {  	s31 =	sadd.s32 $0x3, s30;
	v33 =	vadd.s32 v12, v33;
	v40 =	vld [tilespmem:s0+$0xFFFFFEC0]  }
0x1c0: {  	v59 =	vmov s31  }
0x1c1: {  	v60 =	vshrl.u32 v59, $0x3;
	[tilespmem:v56+s21+$0x0] =	vst.idx.msk $0xffff, v34  }
0x1c2: {  	v34 =	vshll.u32 v60, v1;
	[tilespmem:v57+s21+$0x0] =	vst.idx.msk $0xffff, v36  }
0x1c3: {  	v34 =	vbroadcast v34, $0x0;
	[tilespmem:v58+s21+$0x0] =	vst.idx.msk $0xffff, v38  }
0x1c4: {  	[tilespmem:v33+s21+$0x0] =	vst.idx.msk $0xffff, v40  }
0x1c5: {  	v61 =	vadd.s32 v13, v34;
	v33 =	vld [tilespmem:s0+$0xFFFFFED0]  }
0x1c6: {  	v62 =	vadd.s32 v14, v34;
	v36 =	vld [tilespmem:s0+$0xFFFFFEE0]  }
0x1c7: {  	v63 =	vadd.s32 v15, v34;
	v38 =	vld [tilespmem:s0+$0xFFFFFEF0]  }
0x1c8: {  	s31 =	sadd.s32 $0x4, s30;
	v34 =	vadd.s32 v16, v34;
	v40 =	vld [tilespmem:s0+$0xFFFFFF00]  }
0x1c9: {  	v44 =	vmov s31  }
0x1ca: {  	v45 =	vshrl.u32 v44, $0x3;
	[tilespmem:v61+s21+$0x0] =	vst.idx.msk $0xffff, v33  }
0x1cb: {  	v33 =	vshll.u32 v45, v1;
	[tilespmem:v62+s21+$0x0] =	vst.idx.msk $0xffff, v36  }
0x1cc: {  	v33 =	vbroadcast v33, $0x0;
	[tilespmem:v63+s21+$0x0] =	vst.idx.msk $0xffff, v38  }
0x1cd: {  	[tilespmem:v34+s21+$0x0] =	vst.idx.msk $0xffff, v40  }
0x1ce: {  	v46 =	vadd.s32 v17, v33;
	v34 =	vld [tilespmem:s0+$0xFFFFFF10]  }
0x1cf: {  	v47 =	vadd.s32 v18, v33;
	v36 =	vld [tilespmem:s0+$0xFFFFFF20]  }
0x1d0: {  	v48 =	vadd.s32 v19, v33;
	v38 =	vld [tilespmem:s0+$0xFFFFFF30]  }
0x1d1: {  	s31 =	sadd.s32 $0x5, s30;
	v33 =	vadd.s32 v20, v33;
	v40 =	vld [tilespmem:s0+$0xFFFFFF40]  }
0x1d2: {  	v49 =	vmov s31  }
0x1d3: {  	v50 =	vshrl.u32 v49, $0x3;
	[tilespmem:v46+s21+$0x0] =	vst.idx.msk $0xffff, v34  }
0x1d4: {  	v34 =	vshll.u32 v50, v1;
	[tilespmem:v47+s21+$0x0] =	vst.idx.msk $0xffff, v36  }
0x1d5: {  	v34 =	vbroadcast v34, $0x0;
	[tilespmem:v48+s21+$0x0] =	vst.idx.msk $0xffff, v38  }
0x1d6: {  	[tilespmem:v33+s21+$0x0] =	vst.idx.msk $0xffff, v40  }
0x1d7: {  	v51 =	vadd.s32 v21, v34;
	v33 =	vld [tilespmem:s0+$0xFFFFFF50]  }
0x1d8: {  	v52 =	vadd.s32 v22, v34;
	v36 =	vld [tilespmem:s0+$0xFFFFFF60]  }
0x1d9: {  	v53 =	vadd.s32 v23, v34;
	v38 =	vld [tilespmem:s0+$0xFFFFFF70]  }
0x1da: {  	s31 =	sadd.s32 $0x6, s30;
	v34 =	vadd.s32 v24, v34;
	v40 =	vld [tilespmem:s0+$0xFFFFFF80]  }
0x1db: {  	v54 =	vmov s31  }
0x1dc: {  	v55 =	vshrl.u32 v54, $0x3;
	[tilespmem:v51+s21+$0x0] =	vst.idx.msk $0xffff, v33  }
0x1dd: {  	v33 =	vshll.u32 v55, v1;
	[tilespmem:v52+s21+$0x0] =	vst.idx.msk $0xffff, v36  }
0x1de: {  	v33 =	vbroadcast v33, $0x0;
	[tilespmem:v53+s21+$0x0] =	vst.idx.msk $0xffff, v38  }
0x1df: {  	[tilespmem:v34+s21+$0x0] =	vst.idx.msk $0xffff, v40  }
0x1e0: {  	v56 =	vadd.s32 v25, v33;
	v34 =	vld [tilespmem:s0+$0xFFFFFF90]  }
0x1e1: {  	v57 =	vadd.s32 v26, v33;
	v36 =	vld [tilespmem:s0+$0xFFFFFFA0]  }
0x1e2: {  	v58 =	vadd.s32 v27, v33;
	v38 =	vld [tilespmem:s0+$0xFFFFFFB0]  }
0x1e3: {  	s31 =	sadd.s32 $0x7, s30;
	v33 =	vadd.s32 v28, v33;
	v40 =	vld [tilespmem:s0+$0xFFFFFFC0]  }
0x1e4: {  	v59 =	vmov s31  }
0x1e5: {  	v60 =	vshrl.u32 v59, $0x3;
	[tilespmem:v56+s21+$0x0] =	vst.idx.msk $0xffff, v34  }
0x1e6: {  	v34 =	vshll.u32 v60, v1;
	[tilespmem:v57+s21+$0x0] =	vst.idx.msk $0xffff, v36  }
0x1e7: {  	v34 =	vbroadcast v34, $0x0;
	[tilespmem:v58+s21+$0x0] =	vst.idx.msk $0xffff, v38  }
0x1e8: {  	[tilespmem:v33+s21+$0x0] =	vst.idx.msk $0xffff, v40  }
0x1e9: {  	v61 =	vadd.s32 v29, v34;
	v33 =	vld [tilespmem:s0+$0xFFFFFFD0]  }
0x1ea: {  	v62 =	vadd.s32 v30, v34;
	v36 =	vld [tilespmem:s0+$0xFFFFFFE0]  }
0x1eb: {  	v63 =	vadd.s32 v31, v34;
	v38 =	vld [tilespmem:s0+$0xFFFFFFF0]  }
0x1ec: {  	v34 =	vadd.s32 v32, v34;
	v40 =	vld [tilespmem:s0+$0x0];
	_ =	sdelay $0x1  }
0x1ed: {  	[tilespmem:v61+s21+$0x0] =	vst.idx.msk $0xffff, v33  }
0x1ee: {  	[tilespmem:v62+s21+$0x0] =	vst.idx.msk $0xffff, v36  }
0x1ef: {  	s29 =	simm.s32 $0x400;
	s0 =	sadd.s32 s28, s7;
	[tilespmem:v63+s21+$0x0] =	vst.idx.msk $0xffff, v38  }
0x1f0: {  	s30 =	simm.s32 $0x18B08;
	s28 =	simm.s32 $0x18A00;
	s2 =	sadd.s32 $0x0, s0;
	[tilespmem:v34+s21+$0x0] =	vst.idx.msk $0xffff, v40  }
.LBB2_9:
0x1f1: {  	[hbm4b:s2+s3] =	stream.linear.scatter [tilespmem:s28], [sflag:$0x4], $0x100, $0x38;
	[tilespmem:$0x1CC00] =	vst v63  }
0x1f2: {  	s2 =	smov.u32 s29;
	s28 =	smov.u32 s30;
	p0 =	sne.s32 s29, $0xFC00  }
.Ltmp5:
0x1f3: {  	s29 =	sadd.s32 $0x400, s29;
	(pc) =	sbr.rel @p0 .LBB2_9-.Ltmp5, $2  }
0x1f4: {  	_ =	sdelay $0x2  }
0x1f5: {  	s30 =	sadd.s32 $0x108, s30;
	s2 =	sadd.s32 s2, s0  }
.Ltmp6:
0x1f6: {  	(pc) =	sbr.rel @p1 .LBB2_12-.Ltmp6, $2  }
0x1f7: {  	_ =	sdelay $0x2  }
0x1f8: {  	[hbm4b:s2+s3] =	stream.linear.scatter [tilespmem:s28], [sflag:$0x4], $0x100, $0x38;
	[tilespmem:$0x1CC00] =	vst v63  }
.Ltmp7:
0x1f9: {  	(pc) =	sbr.rel .LBB2_2-.Ltmp7, $4  }
0x1fa: {  	s0 =	sadd.s32 $0x300, s26  }
0x1fb: {  	[tilespmem:s15], [sflag:$0x2] =	stream.indirect.gather [hbm4b:s5+s12], $0x40, s0, s12, $0xb8;
	[tilespmem:$0x1CC00] =	vst v63  }
0x1fc: {  	s31 =	sadd.s32 $0x380, s26;
	s25 =	sadd.s32 $0x1, s25  }
0x1fd: {  	[tilespmem:s17], [sflag:$0x2] =	stream.indirect.gather [hbm4b:s5+s12], $0x40, s31, s12, $0xb8;
	[tilespmem:$0x1CC00] =	vst v63  }
.LBB2_13:
0x1fe: {  	_ =	sfence.sel $0x180000  }
0x1ff: {  	[bflag:$0x0] =	sbarrier.arrive $0xFFFF  }
0x200: {  	_ =	strace $0x90000047  }
0x201: {  	s0 =	stileid.u32;
	[bflag:$0x2] =	sbarrier.arrive $0xFFFF  }
0x202: {  	p0 =	sne.s32 s0, $0x0;
	s0 =	rddreg [dreg:$0x3]  }
0x203: {  	s0 =	sadd.s32 @!p0 $0x100000, s0  }
0x204: {  	[sflag:s0] =	ssyncadd.tile.s32 @!p0 $0x1;
	_ =	shalt  }
.Lfunc_end2:
_tile_overlayer_lowered:
.L_overlay_start_2:
0x205: {  	(tag) =	ssettag $0x2  }
0x206: {  	s0 =	rddreg [dreg:$0x0];
	s2 =	stileid.u32  }
0x207: {  	s1 =	rddreg [dreg:$0x1];
	p0 =	sne.s32 s2, $0x0  }
0x208: {  	s3 =	rddreg [dreg:$0x2];
	[bflag:$0x3] =	sbarrier.arrive $0xFFFF;
	s2 =	simm.s32 @!p0 $0x1C05  }
0x209: {  	[timem:s3], [sflag:s2] =	dma.local @!p0 [hbm:s0], s1  }
0x20a: {  	s0 =	simm.s32 @!p0 $0x5  }
0x20b: {  	_ =	swait.ge @!p0 [sflag:s0], s1  }
0x20c: {  	s1 =	ssub.s32 @!p0 $0x0, s1;
	[sflag:s0] =	ssyncset.done @!p0 $0x0  }
0x20d: {  	[sflag:s0] =	ssyncadd.s32 @!p0 s1  }
0x20e: {  	[bflag:$0x3] =	sbarrier.arrive $0xFFFF  }
0x20f: {  	_ =	shalt  }

</sc_bundles>
